<compile_context>
chip_gen: v7x
topology: tpu7x:2x2x1
jax: 0.10.2.dev20260603
libtpu: 0.0.44.dev20260713+nightly
codegen_flags: <defaults>
</compile_context>

<pallas_src>
import jax
import jax.numpy as jnp
from jax import lax
from jax.experimental import pallas as pl
from jax.experimental.pallas import tpu as pltpu
from jax.experimental.pallas import tpu_sc as plsc

_BATCH = 4096
_SEQ = 200
_EMBED = 32
_NW = 32
_BBLK = _BATCH // _NW
_NBUF = 4


_CHUNK_F = _BBLK * _EMBED


def _gather_kernel(x_hbm, table_hbm, pos_hbm, out_hbm,
                   idx_v, pos_v, r0, r1, r2, r3,
                   o0, o1, o2, o3,
                   gs0, gs1, gs2, gs3,
                   ss0, ss1, ss2, ss3):
    wid = lax.axis_index("c") * 16 + lax.axis_index("s")
    pltpu.sync_copy(x_hbm.at[wid], idx_v)
    pltpu.sync_copy(pos_hbm, pos_v)
    gbuf = (r0, r1, r2, r3)
    obuf = (o0, o1, o2, o3)
    gsem = (gs0, gs1, gs2, gs3)
    ssem = (ss0, ss1, ss2, ss3)

    def start_gather(n, rbuf, sem):
        pltpu.async_copy(table_hbm.at[idx_v.at[n]], rbuf, sem)

    def wait_gather(rbuf, sem):
        pltpu.make_async_copy(table_hbm.at[pl.ds(0, _BBLK)], rbuf, sem).wait()

    def start_store(n, ob, sem):
        pltpu.async_copy(
            ob, out_hbm.at[pl.ds((n * _NW + wid) * _CHUNK_F, _CHUNK_F)], sem)

    def wait_store(ob, sem):
        pltpu.make_async_copy(ob, out_hbm.at[pl.ds(0, _CHUNK_F)], sem).wait()

    start_gather(0, gbuf[0], gsem[0])
    start_gather(1, gbuf[1], gsem[1])

    @pl.loop(0, _SEQ // _NBUF)
    def block_group(gi):
        for j in range(_NBUF):
            n = _NBUF * gi + j
            nb = (j + 2) % _NBUF
            rbuf = gbuf[j]
            ob = obuf[j]

            @pl.when(n + 2 < _SEQ)
            def _prefetch():
                start_gather(n + 2, gbuf[nb], gsem[nb])

            wait_gather(rbuf, gsem[j])

            @pl.when(n >= _NBUF)
            def _drain_self():
                wait_store(ob, ssem[j])

            pv_lo = pos_v[n, pl.ds(0, 16)]
            pv_hi = pos_v[n, pl.ds(16, 16)]

            @plsc.parallel_loop(0, _BBLK, 1, unroll=8)
            def pos_add(r):
                ob[pl.ds(r * _EMBED, 16)] = rbuf[r, pl.ds(0, 16)] + pv_lo
                ob[pl.ds(r * _EMBED + 16, 16)] = rbuf[r, pl.ds(16, 16)] + pv_hi

            start_store(n, ob, ssem[j])

    for j in range(_NBUF):
        wait_store(obuf[j], ssem[j])


def _epi_kernel(y_ref, o_ref):
    v = y_ref[...]
    parts = [v[:, :, 32 * q:32 * (q + 1)] for q in range(4)]
    s = jnp.concatenate(parts, axis=0)
    g_i = lax.broadcasted_iota(jnp.int32, (4, 32, 128), 1)
    j_i = lax.broadcasted_iota(jnp.int32, (4, 32, 128), 2)
    q_i = lax.broadcasted_iota(jnp.int32, (4, 32, 128), 0)
    e4 = (j_i == 4 * g_i + q_i).astype(jnp.float32)
    e_all = jnp.broadcast_to(e4[:, None], (4, 32, 32, 128)).reshape(
        128, 32, 128)
    o = lax.dot_general(s, e_all, (((1,), (1,)), ((0,), (0,))),
                        preferred_element_type=jnp.float32)
    o = o.reshape(4, 32, 32, 128).sum(axis=0)
    t = o.reshape(32, 4, 8, 128).transpose(1, 0, 2, 3)
    o_ref[...] = t[None]


@jax.jit
def kernel(x, word_table, pos_table):
    B, N = x.shape
    xq = x.reshape(_NW, _BBLK, N).transpose(0, 2, 1)
    xq = xq.astype(jnp.int32)
    mesh = plsc.VectorSubcoreMesh(core_axis_name="c", subcore_axis_name="s")
    run = pl.kernel(
        _gather_kernel,
        out_type=jax.ShapeDtypeStruct((_SEQ * _NW * _CHUNK_F,), jnp.float32),
        mesh=mesh,
        scratch_types=(
            [pltpu.VMEM((_SEQ, _BBLK), jnp.int32),
             pltpu.VMEM((_SEQ, _EMBED), jnp.float32)]
            + [pltpu.VMEM((_BBLK, _EMBED), jnp.float32) for _ in range(_NBUF)]
            + [pltpu.VMEM((_CHUNK_F,), jnp.float32) for _ in range(_NBUF)]
            + [pltpu.SemaphoreType.DMA for _ in range(2 * _NBUF)]
        ),
        compiler_params=pltpu.CompilerParams(use_tc_tiling_on_sc=False),
    )
    rows = run(xq, word_table, pos_table)
    y = rows.reshape(_SEQ * _NW, _EMBED, _BBLK)
    z = pl.pallas_call(
        _epi_kernel,
        grid=(_SEQ,),
        in_specs=[pl.BlockSpec((_NW, _EMBED, _BBLK), lambda k: (k, 0, 0))],
        out_specs=pl.BlockSpec((1, 4, _NW, 8, _BBLK),
                               lambda k: (k, 0, 0, 0, 0)),
        out_shape=jax.ShapeDtypeStruct((_SEQ, 4, _NW, 8, _BBLK), jnp.float32),
    )(y)
    return z.transpose(2, 4, 0, 1, 3).reshape(B, N, _EMBED)

# --- scband reference (transcript-rebuilt; emitter-appended) ---
"""Pipeline reference for scband-embedding-23699629540036 (READ-ONLY COPY).

The authoritative reference and input builder live on the scoring server;
editing this copy changes nothing except your own understanding.
"""

import jax, jax.numpy as jnp
import numpy as np

VOCAB = 1000000
EMBED = 32
MAXLEN = 200
BATCH = 4096
SEQ = 200

def setup_inputs(seed: int = 0) -> dict:
    key = jax.random.key(seed)
    k1, k2, k3 = jax.random.split(key, 3)
    x = jax.random.randint(k1, (BATCH, SEQ), 0, VOCAB, dtype=jnp.int64 if jax.config.jax_enable_x64 else jnp.int32)
    word_table = jax.random.normal(k2, (VOCAB, EMBED), dtype=jnp.float32) * 0.02
    pos_table = jax.random.normal(k3, (MAXLEN, EMBED), dtype=jnp.float32) * 0.02
    return {"x": x, "word_table": word_table, "pos_table": pos_table}

def reference(x, word_table, pos_table):
    B, N = x.shape
    positions = jnp.arange(N)[None, :]  # [1, N]
    word_emb = jnp.take(word_table, x, axis=0)          # [B, N, E]
    pos_emb = jnp.take(pos_table, positions, axis=0)    # [1, N, E]
    return word_emb + pos_emb

if __name__ == "__main__":
    import jax
    _d = setup_inputs()
    print(jax.jit(kernel)(*tuple(_d.values())))

</pallas_src>

<mosaic_0001>
#map = affine_map<(d0, d1) -> (0, 0, 0)>
#map1 = affine_map<(d0, d1) -> (0, 0)>
#map2 = affine_map<(d0, d1) -> (0)>
module attributes {stable_mosaic.version = 14 : i64} {
  func.func @_gather_kernel(%arg0: i32, %arg1: i32, %arg2: memref<32x200x128xi32, #tpu.memory_space<hbm>>, %arg3: memref<1000000x32xf32, #tpu.memory_space<hbm>>, %arg4: memref<200x32xf32, #tpu.memory_space<hbm>>, %arg5: memref<26214400xf32, #tpu.memory_space<hbm>>, %arg6: memref<200x128xi32, #tpu.memory_space<vmem>>, %arg7: memref<200x32xf32, #tpu.memory_space<vmem>>, %arg8: memref<128x32xf32, #tpu.memory_space<vmem>>, %arg9: memref<128x32xf32, #tpu.memory_space<vmem>>, %arg10: memref<128x32xf32, #tpu.memory_space<vmem>>, %arg11: memref<128x32xf32, #tpu.memory_space<vmem>>, %arg12: memref<4096xf32, #tpu.memory_space<vmem>>, %arg13: memref<4096xf32, #tpu.memory_space<vmem>>, %arg14: memref<4096xf32, #tpu.memory_space<vmem>>, %arg15: memref<4096xf32, #tpu.memory_space<vmem>>, %arg16: memref<!tpu.dma_semaphore, #tpu.memory_space<semaphore_mem>>, %arg17: memref<!tpu.dma_semaphore, #tpu.memory_space<semaphore_mem>>, %arg18: memref<!tpu.dma_semaphore, #tpu.memory_space<semaphore_mem>>, %arg19: memref<!tpu.dma_semaphore, #tpu.memory_space<semaphore_mem>>, %arg20: memref<!tpu.dma_semaphore, #tpu.memory_space<semaphore_mem>>, %arg21: memref<!tpu.dma_semaphore, #tpu.memory_space<semaphore_mem>>, %arg22: memref<!tpu.dma_semaphore, #tpu.memory_space<semaphore_mem>>, %arg23: memref<!tpu.dma_semaphore, #tpu.memory_space<semaphore_mem>>) attributes {dimension_semantics = [#tpu.dimension_semantics<core_parallel>, #tpu.dimension_semantics<subcore_parallel>], iteration_bounds = array<i64: 2, 16>, scalar_prefetch = 0 : i64, scratch_operands = 18 : i64, tpu.core_type = #tpu.core_type<sc_vector_subcore>, window_params = [{transform_indices = #map}, {transform_indices = #map1}, {transform_indices = #map1}, {transform_indices = #map2}]} {
    %mul3A = arith.constant 16 : i32
    %mul3A_0 = arith.muli %arg0, %mul3A : i32
    %add3A = arith.addi %mul3A_0, %arg1 : i32
    "tpu.region"() ({
      %run_scoped3A = tpu.sem_alloc : memref<!tpu.dma_semaphore, #tpu.memory_space<semaphore_mem>>
      %dma_start3A_33 = arith.constant 0 : i32
      %dma_start3A_34 = arith.constant 0 : i32
      %dma_start3A_35 = tpu.memref_slice %arg2[%add3A, %dma_start3A_33, %dma_start3A_34] : memref<32x200x128xi32, #tpu.memory_space<hbm>> -> memref<1x200x128xi32, #tpu.memory_space<hbm>>
      %dma_start3A_36 = tpu.memref_squeeze %dma_start3A_35 : memref<1x200x128xi32, #tpu.memory_space<hbm>> -> memref<200x128xi32, #tpu.memory_space<hbm>>
      %dma_start3A_37 = arith.constant 0 : i32
      %dma_start3A_38 = arith.constant 0 : i32
      %dma_start3A_39 = tpu.memref_slice %arg2[%add3A, %dma_start3A_37, %dma_start3A_38] : memref<32x200x128xi32, #tpu.memory_space<hbm>> -> memref<1x200x128xi32, #tpu.memory_space<hbm>>
      %dma_start3A_40 = tpu.memref_squeeze %dma_start3A_39 : memref<1x200x128xi32, #tpu.memory_space<hbm>> -> memref<200x128xi32, #tpu.memory_space<hbm>>
      tpu.enqueue_dma source(%dma_start3A_40 : memref<200x128xi32, #tpu.memory_space<hbm>>) target(%arg6 : memref<200x128xi32, #tpu.memory_space<vmem>>) target_semaphore(%run_scoped3A : memref<!tpu.dma_semaphore, #tpu.memory_space<semaphore_mem>>)
      %dma_wait3A_41 = arith.constant 0 : i32
      %dma_wait3A_42 = arith.constant 0 : i32
      %dma_wait3A_43 = tpu.memref_slice %arg2[%add3A, %dma_wait3A_41, %dma_wait3A_42] : memref<32x200x128xi32, #tpu.memory_space<hbm>> -> memref<1x200x128xi32, #tpu.memory_space<hbm>>
      %dma_wait3A_44 = tpu.memref_squeeze %dma_wait3A_43 : memref<1x200x128xi32, #tpu.memory_space<hbm>> -> memref<200x128xi32, #tpu.memory_space<hbm>>
      %dma_wait3A_45 = arith.constant 0 : i32
      %dma_wait3A_46 = arith.constant 0 : i32
      %dma_wait3A_47 = tpu.memref_slice %arg2[%add3A, %dma_wait3A_45, %dma_wait3A_46] : memref<32x200x128xi32, #tpu.memory_space<hbm>> -> memref<1x200x128xi32, #tpu.memory_space<hbm>>
      %dma_wait3A_48 = tpu.memref_squeeze %dma_wait3A_47 : memref<1x200x128xi32, #tpu.memory_space<hbm>> -> memref<200x128xi32, #tpu.memory_space<hbm>>
      tpu.wait_dma2 semaphore(%run_scoped3A : memref<!tpu.dma_semaphore, #tpu.memory_space<semaphore_mem>>) src(%dma_wait3A_48 : memref<200x128xi32, #tpu.memory_space<hbm>>) dst(%arg6 : memref<200x128xi32, #tpu.memory_space<vmem>>)
      tpu.yield
    }) : () -> ()
    "tpu.region"() ({
      %run_scoped3A = tpu.sem_alloc : memref<!tpu.dma_semaphore, #tpu.memory_space<semaphore_mem>>
      tpu.enqueue_dma source(%arg4 : memref<200x32xf32, #tpu.memory_space<hbm>>) target(%arg7 : memref<200x32xf32, #tpu.memory_space<vmem>>) target_semaphore(%run_scoped3A : memref<!tpu.dma_semaphore, #tpu.memory_space<semaphore_mem>>)
      tpu.wait_dma2 semaphore(%run_scoped3A : memref<!tpu.dma_semaphore, #tpu.memory_space<semaphore_mem>>) src(%arg4 : memref<200x32xf32, #tpu.memory_space<hbm>>) dst(%arg7 : memref<200x32xf32, #tpu.memory_space<vmem>>)
      tpu.yield
    }) : () -> ()
    %dma_start3A = arith.constant 0 : i32
    %dma_start3A_1 = arith.constant 0 : i32
    %dma_start3A_2 = tpu.memref_slice %arg6[%dma_start3A, %dma_start3A_1] : memref<200x128xi32, #tpu.memory_space<vmem>> -> memref<1x128xi32, #tpu.memory_space<vmem>>
    %dma_start3A_3 = tpu.memref_squeeze %dma_start3A_2 : memref<1x128xi32, #tpu.memory_space<vmem>> -> memref<128xi32, #tpu.memory_space<vmem>>
    %dma_start3A_4 = arith.constant 0 : i32
    %dma_start3A_5 = arith.constant 0 : i32
    %dma_start3A_6 = tpu.memref_slice %arg3[%dma_start3A_4, %dma_start3A_5] : memref<1000000x32xf32, #tpu.memory_space<hbm>> -> memref<1000000x32xf32, #tpu.memory_space<hbm>>
    tpu.enqueue_indirect_dma source(%dma_start3A_6 : memref<1000000x32xf32, #tpu.memory_space<hbm>>) target(%arg8 : memref<128x32xf32, #tpu.memory_space<vmem>>) offsets(%dma_start3A_3 : memref<128xi32, #tpu.memory_space<vmem>>) semaphore(%arg16 : memref<!tpu.dma_semaphore, #tpu.memory_space<semaphore_mem>>)
    %dma_start3A_7 = arith.constant 1 : i32
    %dma_start3A_8 = arith.constant 0 : i32
    %dma_start3A_9 = tpu.memref_slice %arg6[%dma_start3A_7, %dma_start3A_8] : memref<200x128xi32, #tpu.memory_space<vmem>> -> memref<1x128xi32, #tpu.memory_space<vmem>>
    %dma_start3A_10 = tpu.memref_squeeze %dma_start3A_9 : memref<1x128xi32, #tpu.memory_space<vmem>> -> memref<128xi32, #tpu.memory_space<vmem>>
    %dma_start3A_11 = arith.constant 0 : i32
    %dma_start3A_12 = arith.constant 0 : i32
    %dma_start3A_13 = tpu.memref_slice %arg3[%dma_start3A_11, %dma_start3A_12] : memref<1000000x32xf32, #tpu.memory_space<hbm>> -> memref<1000000x32xf32, #tpu.memory_space<hbm>>
    tpu.enqueue_indirect_dma source(%dma_start3A_13 : memref<1000000x32xf32, #tpu.memory_space<hbm>>) target(%arg9 : memref<128x32xf32, #tpu.memory_space<vmem>>) offsets(%dma_start3A_10 : memref<128xi32, #tpu.memory_space<vmem>>) semaphore(%arg17 : memref<!tpu.dma_semaphore, #tpu.memory_space<semaphore_mem>>)
    %scan3A = arith.constant 0 : i32
    %scan3A_14 = arith.constant 50 : i32
    %scan3A_15 = arith.addi %scan3A, %scan3A_14 : i32
    %scan3A_16 = arith.constant 1 : i32
    scf.for %scan3A_33 = %scan3A to %scan3A_15 step %scan3A_16  : i32 {
      %mul3A_34 = arith.constant 1 : i32
      %mul3A_35 = arith.muli %scan3A_33, %mul3A_34 : i32
      %add3A_36 = arith.constant 0 : i32
      %add3A_37 = arith.addi %add3A_36, %mul3A_35 : i32
      %mul3A_38 = arith.constant 4 : i32
      %mul3A_39 = arith.muli %mul3A_38, %add3A_37 : i32
      %add3A_40 = arith.constant 0 : i32
      %add3A_41 = arith.addi %mul3A_39, %add3A_40 : i32
      %add3A_42 = arith.constant 2 : i32
      %add3A_43 = arith.addi %add3A_41, %add3A_42 : i32
      %lt3A = arith.constant 200 : i32
      %lt3A_44 = arith.cmpi slt, %add3A_43, %lt3A : i32
      %convert_element_type3A = arith.extui %lt3A_44 : i1 to i32
      %cond3A = arith.constant 0 : i32
      %cond3A_45 = arith.cmpi ne, %convert_element_type3A, %cond3A : i32
      scf.if %cond3A_45 {
        %add3A_192 = arith.constant 2 : i32
        %add3A_193 = arith.addi %add3A_41, %add3A_192 : i32
        %dma_start3A_194 = arith.constant 0 : i32
        %dma_start3A_195 = tpu.memref_slice %arg6[%add3A_193, %dma_start3A_194] : memref<200x128xi32, #tpu.memory_space<vmem>> -> memref<1x128xi32, #tpu.memory_space<vmem>>
        %dma_start3A_196 = tpu.memref_squeeze %dma_start3A_195 : memref<1x128xi32, #tpu.memory_space<vmem>> -> memref<128xi32, #tpu.memory_space<vmem>>
        %dma_start3A_197 = arith.constant 0 : i32
        %dma_start3A_198 = arith.constant 0 : i32
        %dma_start3A_199 = tpu.memref_slice %arg3[%dma_start3A_197, %dma_start3A_198] : memref<1000000x32xf32, #tpu.memory_space<hbm>> -> memref<1000000x32xf32, #tpu.memory_space<hbm>>
        tpu.enqueue_indirect_dma source(%dma_start3A_199 : memref<1000000x32xf32, #tpu.memory_space<hbm>>) target(%arg10 : memref<128x32xf32, #tpu.memory_space<vmem>>) offsets(%dma_start3A_196 : memref<128xi32, #tpu.memory_space<vmem>>) semaphore(%arg18 : memref<!tpu.dma_semaphore, #tpu.memory_space<semaphore_mem>>)
      } else {
      }
      %dma_wait3A_46 = arith.constant 0 : i32
      %dma_wait3A_47 = arith.constant 0 : i32
      %dma_wait3A_48 = tpu.memref_slice %arg3[%dma_wait3A_46, %dma_wait3A_47] : memref<1000000x32xf32, #tpu.memory_space<hbm>> -> memref<128x32xf32, #tpu.memory_space<hbm>>
      %dma_wait3A_49 = arith.constant 0 : i32
      %dma_wait3A_50 = arith.constant 0 : i32
      %dma_wait3A_51 = tpu.memref_slice %arg3[%dma_wait3A_49, %dma_wait3A_50] : memref<1000000x32xf32, #tpu.memory_space<hbm>> -> memref<128x32xf32, #tpu.memory_space<hbm>>
      tpu.wait_dma2 semaphore(%arg16 : memref<!tpu.dma_semaphore, #tpu.memory_space<semaphore_mem>>) src(%dma_wait3A_51 : memref<128x32xf32, #tpu.memory_space<hbm>>) dst(%arg8 : memref<128x32xf32, #tpu.memory_space<vmem>>)
      %ge3A = arith.constant 4 : i32
      %ge3A_52 = arith.cmpi sge, %add3A_41, %ge3A : i32
      %convert_element_type3A_53 = arith.extui %ge3A_52 : i1 to i32
      %cond3A_54 = arith.constant 0 : i32
      %cond3A_55 = arith.cmpi ne, %convert_element_type3A_53, %cond3A_54 : i32
      scf.if %cond3A_55 {
        %dma_wait3A_192 = arith.constant 0 : i32
        %dma_wait3A_193 = tpu.memref_slice %arg5[%dma_wait3A_192] : memref<26214400xf32, #tpu.memory_space<hbm>> -> memref<4096xf32, #tpu.memory_space<hbm>>
        %dma_wait3A_194 = arith.constant 0 : i32
        %dma_wait3A_195 = tpu.memref_slice %arg5[%dma_wait3A_194] : memref<26214400xf32, #tpu.memory_space<hbm>> -> memref<4096xf32, #tpu.memory_space<hbm>>
        tpu.wait_dma2 semaphore(%arg20 : memref<!tpu.dma_semaphore, #tpu.memory_space<semaphore_mem>>) src(%arg12 : memref<4096xf32, #tpu.memory_space<vmem>>) dst(%dma_wait3A_195 : memref<4096xf32, #tpu.memory_space<hbm>>)
      } else {
      }
      %get3A = arith.index_cast %add3A_41 : i32 to index
      %get3A_56 = arith.constant 0 : index
      %get3A_57 = tpu.vector_load %arg7[%get3A, %get3A_56] {strides = array<i32>} : memref<200x32xf32, #tpu.memory_space<vmem>>, vector<1x16xf32>,
      %get3A_58 = vector.shape_cast %get3A_57 : vector<1x16xf32> to vector<16xf32>
      %get3A_59 = arith.index_cast %add3A_41 : i32 to index
      %get3A_60 = arith.constant 16 : index
      %get3A_61 = tpu.vector_load %arg7[%get3A_59, %get3A_60] {strides = array<i32>} : memref<200x32xf32, #tpu.memory_space<vmem>>, vector<1x16xf32>,
      %get3A_62 = vector.shape_cast %get3A_61 : vector<1x16xf32> to vector<16xf32>
      %parallel_loop3A = arith.constant 0 : i32
      %parallel_loop3A_63 = arith.constant 128 : i32
      %parallel_loop3A_64 = arith.constant 1 : i32
      scf.for %parallel_loop3A_192 = %parallel_loop3A to %parallel_loop3A_63 step %parallel_loop3A_64  : i32 {
        %parallel_loop3A_193 = arith.index_cast %parallel_loop3A_192 : i32 to index
        %parallel_loop3A_194 = arith.constant 0 : index
        %parallel_loop3A_195 = tpu.vector_load %arg8[%parallel_loop3A_193, %parallel_loop3A_194] {strides = array<i32>} : memref<128x32xf32, #tpu.memory_space<vmem>>, vector<1x16xf32>,
        %parallel_loop3A_196 = vector.shape_cast %parallel_loop3A_195 : vector<1x16xf32> to vector<16xf32>
        %parallel_loop3A_197 = arith.addf %parallel_loop3A_196, %get3A_58 : vector<16xf32>
        %parallel_loop3A_198 = arith.constant 32 : i32
        %parallel_loop3A_199 = arith.muli %parallel_loop3A_192, %parallel_loop3A_198 : i32
        %parallel_loop3A_200 = arith.index_cast %parallel_loop3A_199 : i32 to index
        %parallel_loop3A_201 = tpu.vector_load %arg12[%parallel_loop3A_200] {strides = array<i32>} : memref<4096xf32, #tpu.memory_space<vmem>>, vector<16xf32>,
        %parallel_loop3A_202 = vector.shape_cast %parallel_loop3A_201 : vector<16xf32> to vector<16xf32>
        %parallel_loop3A_203 = vector.shape_cast %parallel_loop3A_197 : vector<16xf32> to vector<16xf32>
        tpu.vector_store %arg12[%parallel_loop3A_200], %parallel_loop3A_203 {strides = array<i32>} : memref<4096xf32, #tpu.memory_space<vmem>>, vector<16xf32>,
        %parallel_loop3A_204 = arith.index_cast %parallel_loop3A_192 : i32 to index
        %parallel_loop3A_205 = arith.constant 16 : index
        %parallel_loop3A_206 = tpu.vector_load %arg8[%parallel_loop3A_204, %parallel_loop3A_205] {strides = array<i32>} : memref<128x32xf32, #tpu.memory_space<vmem>>, vector<1x16xf32>,
        %parallel_loop3A_207 = vector.shape_cast %parallel_loop3A_206 : vector<1x16xf32> to vector<16xf32>
        %parallel_loop3A_208 = arith.addf %parallel_loop3A_207, %get3A_62 : vector<16xf32>
        %parallel_loop3A_209 = arith.constant 32 : i32
        %parallel_loop3A_210 = arith.muli %parallel_loop3A_192, %parallel_loop3A_209 : i32
        %parallel_loop3A_211 = arith.constant 16 : i32
        %parallel_loop3A_212 = arith.addi %parallel_loop3A_210, %parallel_loop3A_211 : i32
        %parallel_loop3A_213 = arith.index_cast %parallel_loop3A_212 : i32 to index
        %parallel_loop3A_214 = tpu.vector_load %arg12[%parallel_loop3A_213] {strides = array<i32>} : memref<4096xf32, #tpu.memory_space<vmem>>, vector<16xf32>,
        %parallel_loop3A_215 = vector.shape_cast %parallel_loop3A_214 : vector<16xf32> to vector<16xf32>
        %parallel_loop3A_216 = vector.shape_cast %parallel_loop3A_208 : vector<16xf32> to vector<16xf32>
        tpu.vector_store %arg12[%parallel_loop3A_213], %parallel_loop3A_216 {strides = array<i32>} : memref<4096xf32, #tpu.memory_space<vmem>>, vector<16xf32>,
      } {sc.loop_unroll_factor = 8 : i64, sc.parallel_access}
      %mul3A_65 = arith.constant 32 : i32
      %mul3A_66 = arith.muli %add3A_41, %mul3A_65 : i32
      %add3A_67 = arith.addi %mul3A_66, %add3A : i32
      %mul3A_68 = arith.constant 4096 : i32
      %mul3A_69 = arith.muli %add3A_67, %mul3A_68 : i32
      %dma_start3A_70 = tpu.memref_slice %arg5[%mul3A_69] : memref<26214400xf32, #tpu.memory_space<hbm>> -> memref<4096xf32, #tpu.memory_space<hbm>>
      %dma_start3A_71 = tpu.memref_slice %arg5[%mul3A_69] : memref<26214400xf32, #tpu.memory_space<hbm>> -> memref<4096xf32, #tpu.memory_space<hbm>>
      tpu.enqueue_dma source(%arg12 : memref<4096xf32, #tpu.memory_space<vmem>>) target(%dma_start3A_71 : memref<4096xf32, #tpu.memory_space<hbm>>) target_semaphore(%arg20 : memref<!tpu.dma_semaphore, #tpu.memory_space<semaphore_mem>>)
      %mul3A_72 = arith.constant 4 : i32
      %mul3A_73 = arith.muli %mul3A_72, %add3A_37 : i32
      %add3A_74 = arith.constant 1 : i32
      %add3A_75 = arith.addi %mul3A_73, %add3A_74 : i32
      %add3A_76 = arith.constant 2 : i32
      %add3A_77 = arith.addi %add3A_75, %add3A_76 : i32
      %lt3A_78 = arith.constant 200 : i32
      %lt3A_79 = arith.cmpi slt, %add3A_77, %lt3A_78 : i32
      %convert_element_type3A_80 = arith.extui %lt3A_79 : i1 to i32
      %cond3A_81 = arith.constant 0 : i32
      %cond3A_82 = arith.cmpi ne, %convert_element_type3A_80, %cond3A_81 : i32
      scf.if %cond3A_82 {
        %add3A_192 = arith.constant 2 : i32
        %add3A_193 = arith.addi %add3A_75, %add3A_192 : i32
        %dma_start3A_194 = arith.constant 0 : i32
        %dma_start3A_195 = tpu.memref_slice %arg6[%add3A_193, %dma_start3A_194] : memref<200x128xi32, #tpu.memory_space<vmem>> -> memref<1x128xi32, #tpu.memory_space<vmem>>
        %dma_start3A_196 = tpu.memref_squeeze %dma_start3A_195 : memref<1x128xi32, #tpu.memory_space<vmem>> -> memref<128xi32, #tpu.memory_space<vmem>>
        %dma_start3A_197 = arith.constant 0 : i32
        %dma_start3A_198 = arith.constant 0 : i32
        %dma_start3A_199 = tpu.memref_slice %arg3[%dma_start3A_197, %dma_start3A_198] : memref<1000000x32xf32, #tpu.memory_space<hbm>> -> memref<1000000x32xf32, #tpu.memory_space<hbm>>
        tpu.enqueue_indirect_dma source(%dma_start3A_199 : memref<1000000x32xf32, #tpu.memory_space<hbm>>) target(%arg11 : memref<128x32xf32, #tpu.memory_space<vmem>>) offsets(%dma_start3A_196 : memref<128xi32, #tpu.memory_space<vmem>>) semaphore(%arg19 : memref<!tpu.dma_semaphore, #tpu.memory_space<semaphore_mem>>)
      } else {
      }
      %dma_wait3A_83 = arith.constant 0 : i32
      %dma_wait3A_84 = arith.constant 0 : i32
      %dma_wait3A_85 = tpu.memref_slice %arg3[%dma_wait3A_83, %dma_wait3A_84] : memref<1000000x32xf32, #tpu.memory_space<hbm>> -> memref<128x32xf32, #tpu.memory_space<hbm>>
      %dma_wait3A_86 = arith.constant 0 : i32
      %dma_wait3A_87 = arith.constant 0 : i32
      %dma_wait3A_88 = tpu.memref_slice %arg3[%dma_wait3A_86, %dma_wait3A_87] : memref<1000000x32xf32, #tpu.memory_space<hbm>> -> memref<128x32xf32, #tpu.memory_space<hbm>>
      tpu.wait_dma2 semaphore(%arg17 : memref<!tpu.dma_semaphore, #tpu.memory_space<semaphore_mem>>) src(%dma_wait3A_88 : memref<128x32xf32, #tpu.memory_space<hbm>>) dst(%arg9 : memref<128x32xf32, #tpu.memory_space<vmem>>)
      %ge3A_89 = arith.constant 4 : i32
      %ge3A_90 = arith.cmpi sge, %add3A_75, %ge3A_89 : i32
      %convert_element_type3A_91 = arith.extui %ge3A_90 : i1 to i32
      %cond3A_92 = arith.constant 0 : i32
      %cond3A_93 = arith.cmpi ne, %convert_element_type3A_91, %cond3A_92 : i32
      scf.if %cond3A_93 {
        %dma_wait3A_192 = arith.constant 0 : i32
        %dma_wait3A_193 = tpu.memref_slice %arg5[%dma_wait3A_192] : memref<26214400xf32, #tpu.memory_space<hbm>> -> memref<4096xf32, #tpu.memory_space<hbm>>
        %dma_wait3A_194 = arith.constant 0 : i32
        %dma_wait3A_195 = tpu.memref_slice %arg5[%dma_wait3A_194] : memref<26214400xf32, #tpu.memory_space<hbm>> -> memref<4096xf32, #tpu.memory_space<hbm>>
        tpu.wait_dma2 semaphore(%arg21 : memref<!tpu.dma_semaphore, #tpu.memory_space<semaphore_mem>>) src(%arg13 : memref<4096xf32, #tpu.memory_space<vmem>>) dst(%dma_wait3A_195 : memref<4096xf32, #tpu.memory_space<hbm>>)
      } else {
      }
      %get3A_94 = arith.index_cast %add3A_75 : i32 to index
      %get3A_95 = arith.constant 0 : index
      %get3A_96 = tpu.vector_load %arg7[%get3A_94, %get3A_95] {strides = array<i32>} : memref<200x32xf32, #tpu.memory_space<vmem>>, vector<1x16xf32>,
      %get3A_97 = vector.shape_cast %get3A_96 : vector<1x16xf32> to vector<16xf32>
      %get3A_98 = arith.index_cast %add3A_75 : i32 to index
      %get3A_99 = arith.constant 16 : index
      %get3A_100 = tpu.vector_load %arg7[%get3A_98, %get3A_99] {strides = array<i32>} : memref<200x32xf32, #tpu.memory_space<vmem>>, vector<1x16xf32>,
      %get3A_101 = vector.shape_cast %get3A_100 : vector<1x16xf32> to vector<16xf32>
      %parallel_loop3A_102 = arith.constant 0 : i32
      %parallel_loop3A_103 = arith.constant 128 : i32
      %parallel_loop3A_104 = arith.constant 1 : i32
      scf.for %parallel_loop3A_192 = %parallel_loop3A_102 to %parallel_loop3A_103 step %parallel_loop3A_104  : i32 {
        %parallel_loop3A_193 = arith.index_cast %parallel_loop3A_192 : i32 to index
        %parallel_loop3A_194 = arith.constant 0 : index
        %parallel_loop3A_195 = tpu.vector_load %arg9[%parallel_loop3A_193, %parallel_loop3A_194] {strides = array<i32>} : memref<128x32xf32, #tpu.memory_space<vmem>>, vector<1x16xf32>,
        %parallel_loop3A_196 = vector.shape_cast %parallel_loop3A_195 : vector<1x16xf32> to vector<16xf32>
        %parallel_loop3A_197 = arith.addf %parallel_loop3A_196, %get3A_97 : vector<16xf32>
        %parallel_loop3A_198 = arith.constant 32 : i32
        %parallel_loop3A_199 = arith.muli %parallel_loop3A_192, %parallel_loop3A_198 : i32
        %parallel_loop3A_200 = arith.index_cast %parallel_loop3A_199 : i32 to index
        %parallel_loop3A_201 = tpu.vector_load %arg13[%parallel_loop3A_200] {strides = array<i32>} : memref<4096xf32, #tpu.memory_space<vmem>>, vector<16xf32>,
        %parallel_loop3A_202 = vector.shape_cast %parallel_loop3A_201 : vector<16xf32> to vector<16xf32>
        %parallel_loop3A_203 = vector.shape_cast %parallel_loop3A_197 : vector<16xf32> to vector<16xf32>
        tpu.vector_store %arg13[%parallel_loop3A_200], %parallel_loop3A_203 {strides = array<i32>} : memref<4096xf32, #tpu.memory_space<vmem>>, vector<16xf32>,
        %parallel_loop3A_204 = arith.index_cast %parallel_loop3A_192 : i32 to index
        %parallel_loop3A_205 = arith.constant 16 : index
        %parallel_loop3A_206 = tpu.vector_load %arg9[%parallel_loop3A_204, %parallel_loop3A_205] {strides = array<i32>} : memref<128x32xf32, #tpu.memory_space<vmem>>, vector<1x16xf32>,
        %parallel_loop3A_207 = vector.shape_cast %parallel_loop3A_206 : vector<1x16xf32> to vector<16xf32>
        %parallel_loop3A_208 = arith.addf %parallel_loop3A_207, %get3A_101 : vector<16xf32>
        %parallel_loop3A_209 = arith.constant 32 : i32
        %parallel_loop3A_210 = arith.muli %parallel_loop3A_192, %parallel_loop3A_209 : i32
        %parallel_loop3A_211 = arith.constant 16 : i32
        %parallel_loop3A_212 = arith.addi %parallel_loop3A_210, %parallel_loop3A_211 : i32
        %parallel_loop3A_213 = arith.index_cast %parallel_loop3A_212 : i32 to index
        %parallel_loop3A_214 = tpu.vector_load %arg13[%parallel_loop3A_213] {strides = array<i32>} : memref<4096xf32, #tpu.memory_space<vmem>>, vector<16xf32>,
        %parallel_loop3A_215 = vector.shape_cast %parallel_loop3A_214 : vector<16xf32> to vector<16xf32>
        %parallel_loop3A_216 = vector.shape_cast %parallel_loop3A_208 : vector<16xf32> to vector<16xf32>
        tpu.vector_store %arg13[%parallel_loop3A_213], %parallel_loop3A_216 {strides = array<i32>} : memref<4096xf32, #tpu.memory_space<vmem>>, vector<16xf32>,
      } {sc.loop_unroll_factor = 8 : i64, sc.parallel_access}
      %mul3A_105 = arith.constant 32 : i32
      %mul3A_106 = arith.muli %add3A_75, %mul3A_105 : i32
      %add3A_107 = arith.addi %mul3A_106, %add3A : i32
      %mul3A_108 = arith.constant 4096 : i32
      %mul3A_109 = arith.muli %add3A_107, %mul3A_108 : i32
      %dma_start3A_110 = tpu.memref_slice %arg5[%mul3A_109] : memref<26214400xf32, #tpu.memory_space<hbm>> -> memref<4096xf32, #tpu.memory_space<hbm>>
      %dma_start3A_111 = tpu.memref_slice %arg5[%mul3A_109] : memref<26214400xf32, #tpu.memory_space<hbm>> -> memref<4096xf32, #tpu.memory_space<hbm>>
      tpu.enqueue_dma source(%arg13 : memref<4096xf32, #tpu.memory_space<vmem>>) target(%dma_start3A_111 : memref<4096xf32, #tpu.memory_space<hbm>>) target_semaphore(%arg21 : memref<!tpu.dma_semaphore, #tpu.memory_space<semaphore_mem>>)
      %mul3A_112 = arith.constant 4 : i32
      %mul3A_113 = arith.muli %mul3A_112, %add3A_37 : i32
      %add3A_114 = arith.constant 2 : i32
      %add3A_115 = arith.addi %mul3A_113, %add3A_114 : i32
      %add3A_116 = arith.constant 2 : i32
      %add3A_117 = arith.addi %add3A_115, %add3A_116 : i32
      %lt3A_118 = arith.constant 200 : i32
      %lt3A_119 = arith.cmpi slt, %add3A_117, %lt3A_118 : i32
      %convert_element_type3A_120 = arith.extui %lt3A_119 : i1 to i32
      %cond3A_121 = arith.constant 0 : i32
      %cond3A_122 = arith.cmpi ne, %convert_element_type3A_120, %cond3A_121 : i32
      scf.if %cond3A_122 {
        %add3A_192 = arith.constant 2 : i32
        %add3A_193 = arith.addi %add3A_115, %add3A_192 : i32
        %dma_start3A_194 = arith.constant 0 : i32
        %dma_start3A_195 = tpu.memref_slice %arg6[%add3A_193, %dma_start3A_194] : memref<200x128xi32, #tpu.memory_space<vmem>> -> memref<1x128xi32, #tpu.memory_space<vmem>>
        %dma_start3A_196 = tpu.memref_squeeze %dma_start3A_195 : memref<1x128xi32, #tpu.memory_space<vmem>> -> memref<128xi32, #tpu.memory_space<vmem>>
        %dma_start3A_197 = arith.constant 0 : i32
        %dma_start3A_198 = arith.constant 0 : i32
        %dma_start3A_199 = tpu.memref_slice %arg3[%dma_start3A_197, %dma_start3A_198] : memref<1000000x32xf32, #tpu.memory_space<hbm>> -> memref<1000000x32xf32, #tpu.memory_space<hbm>>
        tpu.enqueue_indirect_dma source(%dma_start3A_199 : memref<1000000x32xf32, #tpu.memory_space<hbm>>) target(%arg8 : memref<128x32xf32, #tpu.memory_space<vmem>>) offsets(%dma_start3A_196 : memref<128xi32, #tpu.memory_space<vmem>>) semaphore(%arg16 : memref<!tpu.dma_semaphore, #tpu.memory_space<semaphore_mem>>)
      } else {
      }
      %dma_wait3A_123 = arith.constant 0 : i32
      %dma_wait3A_124 = arith.constant 0 : i32
      %dma_wait3A_125 = tpu.memref_slice %arg3[%dma_wait3A_123, %dma_wait3A_124] : memref<1000000x32xf32, #tpu.memory_space<hbm>> -> memref<128x32xf32, #tpu.memory_space<hbm>>
      %dma_wait3A_126 = arith.constant 0 : i32
      %dma_wait3A_127 = arith.constant 0 : i32
      %dma_wait3A_128 = tpu.memref_slice %arg3[%dma_wait3A_126, %dma_wait3A_127] : memref<1000000x32xf32, #tpu.memory_space<hbm>> -> memref<128x32xf32, #tpu.memory_space<hbm>>
      tpu.wait_dma2 semaphore(%arg18 : memref<!tpu.dma_semaphore, #tpu.memory_space<semaphore_mem>>) src(%dma_wait3A_128 : memref<128x32xf32, #tpu.memory_space<hbm>>) dst(%arg10 : memref<128x32xf32, #tpu.memory_space<vmem>>)
      %ge3A_129 = arith.constant 4 : i32
      %ge3A_130 = arith.cmpi sge, %add3A_115, %ge3A_129 : i32
      %convert_element_type3A_131 = arith.extui %ge3A_130 : i1 to i32
      %cond3A_132 = arith.constant 0 : i32
      %cond3A_133 = arith.cmpi ne, %convert_element_type3A_131, %cond3A_132 : i32
      scf.if %cond3A_133 {
        %dma_wait3A_192 = arith.constant 0 : i32
        %dma_wait3A_193 = tpu.memref_slice %arg5[%dma_wait3A_192] : memref<26214400xf32, #tpu.memory_space<hbm>> -> memref<4096xf32, #tpu.memory_space<hbm>>
        %dma_wait3A_194 = arith.constant 0 : i32
        %dma_wait3A_195 = tpu.memref_slice %arg5[%dma_wait3A_194] : memref<26214400xf32, #tpu.memory_space<hbm>> -> memref<4096xf32, #tpu.memory_space<hbm>>
        tpu.wait_dma2 semaphore(%arg22 : memref<!tpu.dma_semaphore, #tpu.memory_space<semaphore_mem>>) src(%arg14 : memref<4096xf32, #tpu.memory_space<vmem>>) dst(%dma_wait3A_195 : memref<4096xf32, #tpu.memory_space<hbm>>)
      } else {
      }
      %get3A_134 = arith.index_cast %add3A_115 : i32 to index
      %get3A_135 = arith.constant 0 : index
      %get3A_136 = tpu.vector_load %arg7[%get3A_134, %get3A_135] {strides = array<i32>} : memref<200x32xf32, #tpu.memory_space<vmem>>, vector<1x16xf32>,
      %get3A_137 = vector.shape_cast %get3A_136 : vector<1x16xf32> to vector<16xf32>
      %get3A_138 = arith.index_cast %add3A_115 : i32 to index
      %get3A_139 = arith.constant 16 : index
      %get3A_140 = tpu.vector_load %arg7[%get3A_138, %get3A_139] {strides = array<i32>} : memref<200x32xf32, #tpu.memory_space<vmem>>, vector<1x16xf32>,
      %get3A_141 = vector.shape_cast %get3A_140 : vector<1x16xf32> to vector<16xf32>
      %parallel_loop3A_142 = arith.constant 0 : i32
      %parallel_loop3A_143 = arith.constant 128 : i32
      %parallel_loop3A_144 = arith.constant 1 : i32
      scf.for %parallel_loop3A_192 = %parallel_loop3A_142 to %parallel_loop3A_143 step %parallel_loop3A_144  : i32 {
        %parallel_loop3A_193 = arith.index_cast %parallel_loop3A_192 : i32 to index
        %parallel_loop3A_194 = arith.constant 0 : index
        %parallel_loop3A_195 = tpu.vector_load %arg10[%parallel_loop3A_193, %parallel_loop3A_194] {strides = array<i32>} : memref<128x32xf32, #tpu.memory_space<vmem>>, vector<1x16xf32>,
        %parallel_loop3A_196 = vector.shape_cast %parallel_loop3A_195 : vector<1x16xf32> to vector<16xf32>
        %parallel_loop3A_197 = arith.addf %parallel_loop3A_196, %get3A_137 : vector<16xf32>
        %parallel_loop3A_198 = arith.constant 32 : i32
        %parallel_loop3A_199 = arith.muli %parallel_loop3A_192, %parallel_loop3A_198 : i32
        %parallel_loop3A_200 = arith.index_cast %parallel_loop3A_199 : i32 to index
        %parallel_loop3A_201 = tpu.vector_load %arg14[%parallel_loop3A_200] {strides = array<i32>} : memref<4096xf32, #tpu.memory_space<vmem>>, vector<16xf32>,
        %parallel_loop3A_202 = vector.shape_cast %parallel_loop3A_201 : vector<16xf32> to vector<16xf32>
        %parallel_loop3A_203 = vector.shape_cast %parallel_loop3A_197 : vector<16xf32> to vector<16xf32>
        tpu.vector_store %arg14[%parallel_loop3A_200], %parallel_loop3A_203 {strides = array<i32>} : memref<4096xf32, #tpu.memory_space<vmem>>, vector<16xf32>,
        %parallel_loop3A_204 = arith.index_cast %parallel_loop3A_192 : i32 to index
        %parallel_loop3A_205 = arith.constant 16 : index
        %parallel_loop3A_206 = tpu.vector_load %arg10[%parallel_loop3A_204, %parallel_loop3A_205] {strides = array<i32>} : memref<128x32xf32, #tpu.memory_space<vmem>>, vector<1x16xf32>,
        %parallel_loop3A_207 = vector.shape_cast %parallel_loop3A_206 : vector<1x16xf32> to vector<16xf32>
        %parallel_loop3A_208 = arith.addf %parallel_loop3A_207, %get3A_141 : vector<16xf32>
        %parallel_loop3A_209 = arith.constant 32 : i32
        %parallel_loop3A_210 = arith.muli %parallel_loop3A_192, %parallel_loop3A_209 : i32
        %parallel_loop3A_211 = arith.constant 16 : i32
        %parallel_loop3A_212 = arith.addi %parallel_loop3A_210, %parallel_loop3A_211 : i32
        %parallel_loop3A_213 = arith.index_cast %parallel_loop3A_212 : i32 to index
        %parallel_loop3A_214 = tpu.vector_load %arg14[%parallel_loop3A_213] {strides = array<i32>} : memref<4096xf32, #tpu.memory_space<vmem>>, vector<16xf32>,
        %parallel_loop3A_215 = vector.shape_cast %parallel_loop3A_214 : vector<16xf32> to vector<16xf32>
        %parallel_loop3A_216 = vector.shape_cast %parallel_loop3A_208 : vector<16xf32> to vector<16xf32>
        tpu.vector_store %arg14[%parallel_loop3A_213], %parallel_loop3A_216 {strides = array<i32>} : memref<4096xf32, #tpu.memory_space<vmem>>, vector<16xf32>,
      } {sc.loop_unroll_factor = 8 : i64, sc.parallel_access}
      %mul3A_145 = arith.constant 32 : i32
      %mul3A_146 = arith.muli %add3A_115, %mul3A_145 : i32
      %add3A_147 = arith.addi %mul3A_146, %add3A : i32
      %mul3A_148 = arith.constant 4096 : i32
      %mul3A_149 = arith.muli %add3A_147, %mul3A_148 : i32
      %dma_start3A_150 = tpu.memref_slice %arg5[%mul3A_149] : memref<26214400xf32, #tpu.memory_space<hbm>> -> memref<4096xf32, #tpu.memory_space<hbm>>
      %dma_start3A_151 = tpu.memref_slice %arg5[%mul3A_149] : memref<26214400xf32, #tpu.memory_space<hbm>> -> memref<4096xf32, #tpu.memory_space<hbm>>
      tpu.enqueue_dma source(%arg14 : memref<4096xf32, #tpu.memory_space<vmem>>) target(%dma_start3A_151 : memref<4096xf32, #tpu.memory_space<hbm>>) target_semaphore(%arg22 : memref<!tpu.dma_semaphore, #tpu.memory_space<semaphore_mem>>)
      %mul3A_152 = arith.constant 4 : i32
      %mul3A_153 = arith.muli %mul3A_152, %add3A_37 : i32
      %add3A_154 = arith.constant 3 : i32
      %add3A_155 = arith.addi %mul3A_153, %add3A_154 : i32
      %add3A_156 = arith.constant 2 : i32
      %add3A_157 = arith.addi %add3A_155, %add3A_156 : i32
      %lt3A_158 = arith.constant 200 : i32
      %lt3A_159 = arith.cmpi slt, %add3A_157, %lt3A_158 : i32
      %convert_element_type3A_160 = arith.extui %lt3A_159 : i1 to i32
      %cond3A_161 = arith.constant 0 : i32
      %cond3A_162 = arith.cmpi ne, %convert_element_type3A_160, %cond3A_161 : i32
      scf.if %cond3A_162 {
        %add3A_192 = arith.constant 2 : i32
        %add3A_193 = arith.addi %add3A_155, %add3A_192 : i32
        %dma_start3A_194 = arith.constant 0 : i32
        %dma_start3A_195 = tpu.memref_slice %arg6[%add3A_193, %dma_start3A_194] : memref<200x128xi32, #tpu.memory_space<vmem>> -> memref<1x128xi32, #tpu.memory_space<vmem>>
        %dma_start3A_196 = tpu.memref_squeeze %dma_start3A_195 : memref<1x128xi32, #tpu.memory_space<vmem>> -> memref<128xi32, #tpu.memory_space<vmem>>
        %dma_start3A_197 = arith.constant 0 : i32
        %dma_start3A_198 = arith.constant 0 : i32
        %dma_start3A_199 = tpu.memref_slice %arg3[%dma_start3A_197, %dma_start3A_198] : memref<1000000x32xf32, #tpu.memory_space<hbm>> -> memref<1000000x32xf32, #tpu.memory_space<hbm>>
        tpu.enqueue_indirect_dma source(%dma_start3A_199 : memref<1000000x32xf32, #tpu.memory_space<hbm>>) target(%arg9 : memref<128x32xf32, #tpu.memory_space<vmem>>) offsets(%dma_start3A_196 : memref<128xi32, #tpu.memory_space<vmem>>) semaphore(%arg17 : memref<!tpu.dma_semaphore, #tpu.memory_space<semaphore_mem>>)
      } else {
      }
      %dma_wait3A_163 = arith.constant 0 : i32
      %dma_wait3A_164 = arith.constant 0 : i32
      %dma_wait3A_165 = tpu.memref_slice %arg3[%dma_wait3A_163, %dma_wait3A_164] : memref<1000000x32xf32, #tpu.memory_space<hbm>> -> memref<128x32xf32, #tpu.memory_space<hbm>>
      %dma_wait3A_166 = arith.constant 0 : i32
      %dma_wait3A_167 = arith.constant 0 : i32
      %dma_wait3A_168 = tpu.memref_slice %arg3[%dma_wait3A_166, %dma_wait3A_167] : memref<1000000x32xf32, #tpu.memory_space<hbm>> -> memref<128x32xf32, #tpu.memory_space<hbm>>
      tpu.wait_dma2 semaphore(%arg19 : memref<!tpu.dma_semaphore, #tpu.memory_space<semaphore_mem>>) src(%dma_wait3A_168 : memref<128x32xf32, #tpu.memory_space<hbm>>) dst(%arg11 : memref<128x32xf32, #tpu.memory_space<vmem>>)
      %ge3A_169 = arith.constant 4 : i32
      %ge3A_170 = arith.cmpi sge, %add3A_155, %ge3A_169 : i32
      %convert_element_type3A_171 = arith.extui %ge3A_170 : i1 to i32
      %cond3A_172 = arith.constant 0 : i32
      %cond3A_173 = arith.cmpi ne, %convert_element_type3A_171, %cond3A_172 : i32
      scf.if %cond3A_173 {
        %dma_wait3A_192 = arith.constant 0 : i32
        %dma_wait3A_193 = tpu.memref_slice %arg5[%dma_wait3A_192] : memref<26214400xf32, #tpu.memory_space<hbm>> -> memref<4096xf32, #tpu.memory_space<hbm>>
        %dma_wait3A_194 = arith.constant 0 : i32
        %dma_wait3A_195 = tpu.memref_slice %arg5[%dma_wait3A_194] : memref<26214400xf32, #tpu.memory_space<hbm>> -> memref<4096xf32, #tpu.memory_space<hbm>>
        tpu.wait_dma2 semaphore(%arg23 : memref<!tpu.dma_semaphore, #tpu.memory_space<semaphore_mem>>) src(%arg15 : memref<4096xf32, #tpu.memory_space<vmem>>) dst(%dma_wait3A_195 : memref<4096xf32, #tpu.memory_space<hbm>>)
      } else {
      }
      %get3A_174 = arith.index_cast %add3A_155 : i32 to index
      %get3A_175 = arith.constant 0 : index
      %get3A_176 = tpu.vector_load %arg7[%get3A_174, %get3A_175] {strides = array<i32>} : memref<200x32xf32, #tpu.memory_space<vmem>>, vector<1x16xf32>,
      %get3A_177 = vector.shape_cast %get3A_176 : vector<1x16xf32> to vector<16xf32>
      %get3A_178 = arith.index_cast %add3A_155 : i32 to index
      %get3A_179 = arith.constant 16 : index
      %get3A_180 = tpu.vector_load %arg7[%get3A_178, %get3A_179] {strides = array<i32>} : memref<200x32xf32, #tpu.memory_space<vmem>>, vector<1x16xf32>,
      %get3A_181 = vector.shape_cast %get3A_180 : vector<1x16xf32> to vector<16xf32>
      %parallel_loop3A_182 = arith.constant 0 : i32
      %parallel_loop3A_183 = arith.constant 128 : i32
      %parallel_loop3A_184 = arith.constant 1 : i32
      scf.for %parallel_loop3A_192 = %parallel_loop3A_182 to %parallel_loop3A_183 step %parallel_loop3A_184  : i32 {
        %parallel_loop3A_193 = arith.index_cast %parallel_loop3A_192 : i32 to index
        %parallel_loop3A_194 = arith.constant 0 : index
        %parallel_loop3A_195 = tpu.vector_load %arg11[%parallel_loop3A_193, %parallel_loop3A_194] {strides = array<i32>} : memref<128x32xf32, #tpu.memory_space<vmem>>, vector<1x16xf32>,
        %parallel_loop3A_196 = vector.shape_cast %parallel_loop3A_195 : vector<1x16xf32> to vector<16xf32>
        %parallel_loop3A_197 = arith.addf %parallel_loop3A_196, %get3A_177 : vector<16xf32>
        %parallel_loop3A_198 = arith.constant 32 : i32
        %parallel_loop3A_199 = arith.muli %parallel_loop3A_192, %parallel_loop3A_198 : i32
        %parallel_loop3A_200 = arith.index_cast %parallel_loop3A_199 : i32 to index
        %parallel_loop3A_201 = tpu.vector_load %arg15[%parallel_loop3A_200] {strides = array<i32>} : memref<4096xf32, #tpu.memory_space<vmem>>, vector<16xf32>,
        %parallel_loop3A_202 = vector.shape_cast %parallel_loop3A_201 : vector<16xf32> to vector<16xf32>
        %parallel_loop3A_203 = vector.shape_cast %parallel_loop3A_197 : vector<16xf32> to vector<16xf32>
        tpu.vector_store %arg15[%parallel_loop3A_200], %parallel_loop3A_203 {strides = array<i32>} : memref<4096xf32, #tpu.memory_space<vmem>>, vector<16xf32>,
        %parallel_loop3A_204 = arith.index_cast %parallel_loop3A_192 : i32 to index
        %parallel_loop3A_205 = arith.constant 16 : index
        %parallel_loop3A_206 = tpu.vector_load %arg11[%parallel_loop3A_204, %parallel_loop3A_205] {strides = array<i32>} : memref<128x32xf32, #tpu.memory_space<vmem>>, vector<1x16xf32>,
        %parallel_loop3A_207 = vector.shape_cast %parallel_loop3A_206 : vector<1x16xf32> to vector<16xf32>
        %parallel_loop3A_208 = arith.addf %parallel_loop3A_207, %get3A_181 : vector<16xf32>
        %parallel_loop3A_209 = arith.constant 32 : i32
        %parallel_loop3A_210 = arith.muli %parallel_loop3A_192, %parallel_loop3A_209 : i32
        %parallel_loop3A_211 = arith.constant 16 : i32
        %parallel_loop3A_212 = arith.addi %parallel_loop3A_210, %parallel_loop3A_211 : i32
        %parallel_loop3A_213 = arith.index_cast %parallel_loop3A_212 : i32 to index
        %parallel_loop3A_214 = tpu.vector_load %arg15[%parallel_loop3A_213] {strides = array<i32>} : memref<4096xf32, #tpu.memory_space<vmem>>, vector<16xf32>,
        %parallel_loop3A_215 = vector.shape_cast %parallel_loop3A_214 : vector<16xf32> to vector<16xf32>
        %parallel_loop3A_216 = vector.shape_cast %parallel_loop3A_208 : vector<16xf32> to vector<16xf32>
        tpu.vector_store %arg15[%parallel_loop3A_213], %parallel_loop3A_216 {strides = array<i32>} : memref<4096xf32, #tpu.memory_space<vmem>>, vector<16xf32>,
      } {sc.loop_unroll_factor = 8 : i64, sc.parallel_access}
      %mul3A_185 = arith.constant 32 : i32
      %mul3A_186 = arith.muli %add3A_155, %mul3A_185 : i32
      %add3A_187 = arith.addi %mul3A_186, %add3A : i32
      %mul3A_188 = arith.constant 4096 : i32
      %mul3A_189 = arith.muli %add3A_187, %mul3A_188 : i32
      %dma_start3A_190 = tpu.memref_slice %arg5[%mul3A_189] : memref<26214400xf32, #tpu.memory_space<hbm>> -> memref<4096xf32, #tpu.memory_space<hbm>>
      %dma_start3A_191 = tpu.memref_slice %arg5[%mul3A_189] : memref<26214400xf32, #tpu.memory_space<hbm>> -> memref<4096xf32, #tpu.memory_space<hbm>>
      tpu.enqueue_dma source(%arg15 : memref<4096xf32, #tpu.memory_space<vmem>>) target(%dma_start3A_191 : memref<4096xf32, #tpu.memory_space<hbm>>) target_semaphore(%arg23 : memref<!tpu.dma_semaphore, #tpu.memory_space<semaphore_mem>>)
    }
    %scan3A_17 = arith.constant 50 : i32
    %dma_wait3A = arith.constant 0 : i32
    %dma_wait3A_18 = tpu.memref_slice %arg5[%dma_wait3A] : memref<26214400xf32, #tpu.memory_space<hbm>> -> memref<4096xf32, #tpu.memory_space<hbm>>
    %dma_wait3A_19 = arith.constant 0 : i32
    %dma_wait3A_20 = tpu.memref_slice %arg5[%dma_wait3A_19] : memref<26214400xf32, #tpu.memory_space<hbm>> -> memref<4096xf32, #tpu.memory_space<hbm>>
    tpu.wait_dma2 semaphore(%arg20 : memref<!tpu.dma_semaphore, #tpu.memory_space<semaphore_mem>>) src(%arg12 : memref<4096xf32, #tpu.memory_space<vmem>>) dst(%dma_wait3A_20 : memref<4096xf32, #tpu.memory_space<hbm>>)
    %dma_wait3A_21 = arith.constant 0 : i32
    %dma_wait3A_22 = tpu.memref_slice %arg5[%dma_wait3A_21] : memref<26214400xf32, #tpu.memory_space<hbm>> -> memref<4096xf32, #tpu.memory_space<hbm>>
    %dma_wait3A_23 = arith.constant 0 : i32
    %dma_wait3A_24 = tpu.memref_slice %arg5[%dma_wait3A_23] : memref<26214400xf32, #tpu.memory_space<hbm>> -> memref<4096xf32, #tpu.memory_space<hbm>>
    tpu.wait_dma2 semaphore(%arg21 : memref<!tpu.dma_semaphore, #tpu.memory_space<semaphore_mem>>) src(%arg13 : memref<4096xf32, #tpu.memory_space<vmem>>) dst(%dma_wait3A_24 : memref<4096xf32, #tpu.memory_space<hbm>>)
    %dma_wait3A_25 = arith.constant 0 : i32
    %dma_wait3A_26 = tpu.memref_slice %arg5[%dma_wait3A_25] : memref<26214400xf32, #tpu.memory_space<hbm>> -> memref<4096xf32, #tpu.memory_space<hbm>>
    %dma_wait3A_27 = arith.constant 0 : i32
    %dma_wait3A_28 = tpu.memref_slice %arg5[%dma_wait3A_27] : memref<26214400xf32, #tpu.memory_space<hbm>> -> memref<4096xf32, #tpu.memory_space<hbm>>
    tpu.wait_dma2 semaphore(%arg22 : memref<!tpu.dma_semaphore, #tpu.memory_space<semaphore_mem>>) src(%arg14 : memref<4096xf32, #tpu.memory_space<vmem>>) dst(%dma_wait3A_28 : memref<4096xf32, #tpu.memory_space<hbm>>)
    %dma_wait3A_29 = arith.constant 0 : i32
    %dma_wait3A_30 = tpu.memref_slice %arg5[%dma_wait3A_29] : memref<26214400xf32, #tpu.memory_space<hbm>> -> memref<4096xf32, #tpu.memory_space<hbm>>
    %dma_wait3A_31 = arith.constant 0 : i32
    %dma_wait3A_32 = tpu.memref_slice %arg5[%dma_wait3A_31] : memref<26214400xf32, #tpu.memory_space<hbm>> -> memref<4096xf32, #tpu.memory_space<hbm>>
    tpu.wait_dma2 semaphore(%arg23 : memref<!tpu.dma_semaphore, #tpu.memory_space<semaphore_mem>>) src(%arg15 : memref<4096xf32, #tpu.memory_space<vmem>>) dst(%dma_wait3A_32 : memref<4096xf32, #tpu.memory_space<hbm>>)
    return
  }
}

module attributes {stable_mosaic.version = 14 : i64} {
  func.func @_epi_kernel(%arg0: i32, %arg1: memref<32x32x128xf32, #tpu.memory_space<vmem>>, %arg2: memref<1x4x32x8x128xf32, #tpu.memory_space<vmem>>) attributes {dimension_semantics = [#tpu.dimension_semantics<arbitrary>], iteration_bounds = array<i64: 200>, scalar_prefetch = 0 : i64, scratch_operands = 0 : i64, tpu.core_type = #tpu.core_type<tc>, window_params = [{transform_indices = @transform_0, window_bounds = array<i64: 32, 32, 128>}, {transform_indices = @transform_1, window_bounds = array<i64: 1, 4, 32, 8, 128>}]} {
    %get3A = arith.constant 0 : index
    %get3A_0 = arith.constant 0 : index
    %get3A_1 = arith.constant 0 : index
    %get3A_2 = vector.load %arg1[%get3A, %get3A_0, %get3A_1] : memref<32x32x128xf32, #tpu.memory_space<vmem>>, vector<32x32x128xf32>
    %slice3A = vector.extract_strided_slice %get3A_2 {offsets = [0, 0, 0], sizes = [32, 32, 32], strides = [1, 1, 1]} : vector<32x32x128xf32> to vector<32x32x32xf32>
    %slice3A_3 = vector.extract_strided_slice %get3A_2 {offsets = [0, 0, 32], sizes = [32, 32, 32], strides = [1, 1, 1]} : vector<32x32x128xf32> to vector<32x32x32xf32>
    %slice3A_4 = vector.extract_strided_slice %get3A_2 {offsets = [0, 0, 64], sizes = [32, 32, 32], strides = [1, 1, 1]} : vector<32x32x128xf32> to vector<32x32x32xf32>
    %slice3A_5 = vector.extract_strided_slice %get3A_2 {offsets = [0, 0, 96], sizes = [32, 32, 32], strides = [1, 1, 1]} : vector<32x32x128xf32> to vector<32x32x32xf32>
    %concatenate3A = tpu.concatenate %slice3A, %slice3A_3, %slice3A_4, %slice3A_5 in 0 : vector<32x32x32xf32>, vector<32x32x32xf32>, vector<32x32x32xf32>, vector<32x32x32xf32> -> vector<128x32x32xf32>
    %iota3A = tpu.iota {dimensions = array<i32: 1>} : vector<4x32x128xi32>
    %iota3A_6 = tpu.iota {dimensions = array<i32: 2>} : vector<4x32x128xi32>
    %iota3A_7 = tpu.iota {dimensions = array<i32: 0>} : vector<4x32x128xi32>
    %mul3A = arith.constant 4 : i32
    %mul3A_8 = vector.broadcast %mul3A : i32 to vector<4x32x128xi32>
    %mul3A_9 = arith.muli %mul3A_8, %iota3A : vector<4x32x128xi32>
    %add3A = arith.addi %mul3A_9, %iota3A_7 : vector<4x32x128xi32>
    %eq3A = arith.cmpi eq, %iota3A_6, %add3A : vector<4x32x128xi32>
    %convert_element_type3A = arith.extui %eq3A : vector<4x32x128xi1> to vector<4x32x128xi32>
    %convert_element_type3A_10 = arith.sitofp %convert_element_type3A : vector<4x32x128xi32> to vector<4x32x128xf32>
    %broadcast_in_dim3A = vector.shape_cast %convert_element_type3A_10 : vector<4x32x128xf32> to vector<4x1x32x128xf32>
    %broadcast_in_dim3A_11 = vector.shape_cast %broadcast_in_dim3A : vector<4x1x32x128xf32> to vector<4x1x32x128xf32>
    %broadcast_in_dim3A_12 = vector.broadcast %broadcast_in_dim3A_11 : vector<4x1x32x128xf32> to vector<4x32x32x128xf32>
    %reshape3A = vector.shape_cast %broadcast_in_dim3A_12 : vector<4x32x32x128xf32> to vector<128x32x128xf32>
    %dot_general3A = arith.constant dense<0.000000e+00> : vector<128x32x128xf32>
    %dot_general3A_13 = tpu.matmul %concatenate3A, %reshape3A, %dot_general3A {dimension_numbers = #tpu.dot_dimension_numbers<[1], [1], [2], [2], [0, 0, 0, 2, 1, 2], [0], [0]>, transpose_lhs_hint = false} : vector<128x32x32xf32>, vector<128x32x128xf32>, vector<128x32x128xf32> -> vector<128x32x128xf32>
    %reshape3A_14 = vector.shape_cast %dot_general3A_13 : vector<128x32x128xf32> to vector<4x32x32x128xf32>
    %reduce_sum3A = arith.constant dense<0.000000e+00> : vector<32x32x128xf32>
    %reduce_sum3A_15 = vector.multi_reduction <add>, %reshape3A_14, %reduce_sum3A [0] : vector<4x32x32x128xf32> to vector<32x32x128xf32>
    %reshape3A_16 = vector.shape_cast %reduce_sum3A_15 : vector<32x32x128xf32> to vector<32x4x8x128xf32>
    %transpose3A = tpu.transpose %reshape3A_16, [1, 0, 2, 3] : vector<32x4x8x128xf32> -> vector<4x32x8x128xf32>
    %broadcast_in_dim3A_17 = vector.shape_cast %transpose3A : vector<4x32x8x128xf32> to vector<1x4x32x8x128xf32>
    %swap3A = arith.constant 0 : index
    %swap3A_18 = arith.constant 0 : index
    %swap3A_19 = arith.constant 0 : index
    %swap3A_20 = arith.constant 0 : index
    %swap3A_21 = arith.constant 0 : index
    %swap3A_22 = vector.load %arg2[%swap3A, %swap3A_18, %swap3A_19, %swap3A_20, %swap3A_21] : memref<1x4x32x8x128xf32, #tpu.memory_space<vmem>>, vector<1x4x32x8x128xf32>
    tpu.vector_store %arg2[%swap3A, %swap3A_18, %swap3A_19, %swap3A_20, %swap3A_21], %broadcast_in_dim3A_17 {strides = array<i32>} : memref<1x4x32x8x128xf32, #tpu.memory_space<vmem>>, vector<1x4x32x8x128xf32>,
    return
  }
  func.func @transform_0(%arg0: i32) -> (i32, i32, i32) {
    %c0_i32 = arith.constant 0 : i32
    %c0_i32_0 = arith.constant 0 : i32
    %c0_i32_1 = arith.constant 0 : i32
    return %arg0, %c0_i32, %c0_i32_0 : i32, i32, i32
  }
  func.func @transform_1(%arg0: i32) -> (i32, i32, i32, i32, i32) {
    %c0_i32 = arith.constant 0 : i32
    %c0_i32_0 = arith.constant 0 : i32
    %c0_i32_1 = arith.constant 0 : i32
    %c0_i32_2 = arith.constant 0 : i32
    %c0_i32_3 = arith.constant 0 : i32
    return %arg0, %c0_i32, %c0_i32_0, %c0_i32_1, %c0_i32_2 : i32, i32, i32, i32, i32
  }
}

</mosaic_0001>

<sc_bundles>
// kernel: kernel.4.cloned.1.call-start
scs
__scs_entry_jumppad:
0x0: {  	(pc) =	sbr.rel $0x88, $3  }
0x1: {  	(tag) =	ssettag $0x0;
	lr =	simm.s32 $0x1  }
0x2: {  	[smem:$0x3F9E] =	sst lr;
	_ =	strace $0xD0000000  }
0x3: {  	_ = 	snop  }
0x4: {  	_ = 	snop  }
0x5: {  	_ = 	snop  }
0x6: {  	_ = 	snop  }
0x7: {  	_ = 	snop  }
__scs_overlays_trampoline_lowered:
0x8: {  	[smem:$0x3FAD] =	sst s0  }
0x9: {  	[smem:$0x3FAE] =	sst s1  }
0xa: {  	[smem:$0x3FAF] =	sst s2  }
0xb: {  	[smem:$0x3FB0] =	sst s3  }
0xc: {  	[smem:$0x3FB1] =	sst s4  }
0xd: {  	[smem:$0x3FB2] =	sst s5  }
0xe: {  	[smem:$0x3FB3] =	sst s6  }
0xf: {  	[smem:$0x3FB4] =	sst s7  }
0x10: {  	[smem:$0x3FB5] =	sst s8  }
0x11: {  	[smem:$0x3FB6] =	sst s9;
	s0 =	simm.s32 @!p0 $0x0  }
0x12: {  	s1 =	sld [smem:$0x3F9C];
	s0 =	simm.s32 @p0 $0x1  }
0x13: {  	[smem:$0x3FB7] =	sst s0;
	s0 =	simm.s32 @!p1 $0x0  }
0x14: {  	s2 =	sld [smem:$0x3F9B];
	s0 =	simm.s32 @p1 $0x1  }
0x15: {  	[smem:$0x3FB8] =	sst s0;
	s0 =	simm.s32 @!p2 $0x0  }
0x16: {  	s3 =	sld [smem:$0x3FDB];
	s0 =	simm.s32 @p2 $0x1  }
0x17: {  	s4 =	simm.s32 $0x1BF5;
	[smem:$0x3FBA] =	sst s0  }
0x18: {  	s0 =	sld [smem:$0x3F9D];
	_ =	swait.ge [sflag:s4], $0x0  }
0x19: {  	s7 =	sld [smem:$0x3F9E]  }
0x1a: {  	s8 =	sadd.s32 $0xFFFFE003, lr  }
0x1b: {  	s9 =	sadd.s32 $0xFFFFFEF7, lr;
	s5 =	simm.s32 $0xFFFFFFFF;
	p2 =	slt.u32 s8, $0xFFFFF086  }
0x1c: {  	p1 =	slt.u32 s9, $0xF7A;
	s5 =	simm.s32 @!p2 $0x0  }
0x1d: {  	s5 =	simm.s32 @p1 $0x1;
	p0 =	seq.s32 s7, s2  }
0x1e: {  	s7 =	smul.u32 @!p0 $0xF7A, s2;
	p2 =	seq.s32 @!p0 s5, $0x0  }
0x1f: {  	s9 =	smul.u32 $0xF7A, s1;
	s8 =	simm.s32 @!p0 $0x1BF5;
	p2 =	por !p2, p0  }
0x20: {  	[sflag:s8] =	ssyncset.s32 @!p0 $0xFFFFF086;
	s6 =	sadd.s32 @!p0 s3, s7;
	s7 =	simm.s32 @!p0 $0x108  }
0x21: {  	s3 =	sadd.s32 s3, s9;
	s6 =	sadd.s32 @!p0 $0x88, s6;
	s7 =	simm.s32 @p2 $0x1082  }
0x22: {  	[simem:s7], [sflag:s8] =	dma.local @!p0 [hbm:s6], $0xF7A  }
0x23: {  	s9 =	sor.u32 $0xD0000000, s2;
	s6 =	simm.s32 $0x108;
	_ =	swait.ge @!p0 [sflag:s8], $0x0  }
0x24: {  	s3 =	sadd.s32 $0x88, s3;
	s6 =	simm.s32 @!p1 $0x1082;
	[sflag:s4] =	ssyncset.s32 $0xFFFFF086  }
0x25: {  	[simem:s6], [sflag:s4] =	dma.local [hbm:s3], $0xF7A  }
0x26: {  	[smem:$0x3F9E] =	sst s1;
	(tag) =	ssettag s2;
	_ =	strace s9  }
0x27: {  	s1 =	sld [smem:$0x3FAE]  }
0x28: {  	s2 =	sld [smem:$0x3FAF]  }
0x29: {  	s4 =	sld [smem:$0x3FB1]  }
0x2a: {  	p0 =	seq.s32 s5, $0x0;
	s5 =	sld [smem:$0x3FB2]  }
0x2b: {  	s6 =	sld [smem:$0x3FB3]  }
0x2c: {  	s7 =	sld [smem:$0x3FB4]  }
0x2d: {  	s3 =	simm.s32 $0x108;
	s8 =	sld [smem:$0x3FB5]  }
0x2e: {  	s3 =	simm.s32 @!p0 $0x1082;
	s9 =	sld [smem:$0x3FB6]  }
0x2f: {  	lr =	sadd.s32 s0, s3;
	s0 =	sld [smem:$0x3FAD]  }
0x30: {  	s3 =	sld [smem:$0x3FB0]  }
0x31: {  	[smem:$0x3FB9] =	sst s10  }
0x32: {  	s10 =	sld [smem:$0x3FB7];
	_ =	sdelay $0x3  }
0x33: {  	p0 =	seq.s32 s10, $0x1;
	s10 =	sld [smem:$0x3FB9];
	_ =	sdelay $0x3  }
0x34: {  	[smem:$0x3FB9] =	sst s10  }
0x35: {  	s10 =	sld [smem:$0x3FB8];
	_ =	sdelay $0x3  }
0x36: {  	p1 =	seq.s32 s10, $0x1;
	s10 =	sld [smem:$0x3FB9];
	_ =	sdelay $0x3  }
0x37: {  	[smem:$0x3FB9] =	sst s10  }
0x38: {  	s10 =	sld [smem:$0x3FBA]  }
0x39: {  	_ = 	snop;
	(pc) =	sbr.ind lr, $3  }
0x3a: {  	_ = 	snop  }
0x3b: {  	_ = 	snop  }
0x3c: {  	p2 =	seq.s32 s10, $0x1;
	s10 =	sld [smem:$0x3FB9]  }
0x3d: {  	_ =	shalt  }
0x3e: {  	_ =	shalt  }
0x3f: {  	_ =	shalt  }
0x40: {  	_ =	shalt  }
0x41: {  	_ =	shalt  }
0x42: {  	_ =	shalt  }
0x43: {  	_ =	shalt  }
0x44: {  	_ =	shalt  }
0x45: {  	_ =	shalt  }
0x46: {  	_ =	shalt  }
0x47: {  	_ =	shalt  }
0x48: {  	_ =	shalt  }
0x49: {  	_ =	shalt  }
0x4a: {  	_ =	shalt  }
0x4b: {  	_ =	shalt  }
0x4c: {  	_ =	shalt  }
0x4d: {  	_ =	shalt  }
0x4e: {  	_ =	shalt  }
0x4f: {  	_ =	shalt  }
0x50: {  	_ =	shalt  }
0x51: {  	_ =	shalt  }
0x52: {  	_ =	shalt  }
0x53: {  	_ =	shalt  }
0x54: {  	_ =	shalt  }
0x55: {  	_ =	shalt  }
0x56: {  	_ =	shalt  }
0x57: {  	_ =	shalt  }
0x58: {  	_ =	shalt  }
0x59: {  	_ =	shalt  }
0x5a: {  	_ =	shalt  }
0x5b: {  	_ =	shalt  }
0x5c: {  	_ =	shalt  }
0x5d: {  	_ =	shalt  }
0x5e: {  	_ =	shalt  }
0x5f: {  	_ =	shalt  }
0x60: {  	_ =	shalt  }
0x61: {  	_ =	shalt  }
0x62: {  	_ =	shalt  }
0x63: {  	_ =	shalt  }
0x64: {  	_ =	shalt  }
0x65: {  	_ =	shalt  }
0x66: {  	_ =	shalt  }
0x67: {  	_ =	shalt  }
0x68: {  	_ =	shalt  }
0x69: {  	_ =	shalt  }
0x6a: {  	_ =	shalt  }
0x6b: {  	_ =	shalt  }
0x6c: {  	_ =	shalt  }
0x6d: {  	_ =	shalt  }
0x6e: {  	_ =	shalt  }
0x6f: {  	_ =	shalt  }
0x70: {  	_ =	shalt  }
0x71: {  	_ =	shalt  }
0x72: {  	_ =	shalt  }
0x73: {  	_ =	shalt  }
0x74: {  	_ =	shalt  }
0x75: {  	_ =	shalt  }
0x76: {  	_ =	shalt  }
0x77: {  	_ =	shalt  }
0x78: {  	_ =	shalt  }
0x79: {  	_ =	shalt  }
0x7a: {  	_ =	shalt  }
0x7b: {  	_ =	shalt  }
0x7c: {  	_ =	shalt  }
0x7d: {  	_ =	shalt  }
0x7e: {  	_ =	shalt  }
0x7f: {  	_ =	shalt  }
0x80: {  	_ =	shalt  }
0x81: {  	_ =	shalt  }
0x82: {  	_ =	shalt  }
0x83: {  	_ =	shalt  }
0x84: {  	_ =	shalt  }
0x85: {  	_ =	shalt  }
0x86: {  	_ =	shalt  }
0x87: {  	_ =	shalt  }
.Lfunc_end0:
.L_simem_size_0:
called_computation_lowered:
.L_overlay_start_0:
0x88: {  	s2 =	sld [smem:$0x3FD9]  }
0x89: {  	s3 =	sld [smem:$0x3FFE];
	_ =	sdelay $0x1  }
0x8a: {  	s1 =	srdreg.scid  }
0x8b: {  	s0 =	sand.u32 $0x1, s1  }
0x8c: {  	s17 =	sshll.u32 s0, $0xA;
	s2 =	sadd.s32 s3, s2  }
0x8d: {  	s2 =	sadd.s32 s2, s17  }
0x8e: {  	[smem:$0x3FC5] =	sst s2  }
0x8f: {  	_ = 	snop  }
0x90: {  	s2 =	sld [smem:$0x3FD0];
	(tm) =	ssettm $0x1  }
0x91: {  	s18 =	sld [smem:$0x3FFB];
	_ =	sdelay $0x3  }
0x92: {  	_ =	strace s18  }
0x93: {  	s3 =	sld [smem:$0x3FFC];
	_ =	sdelay $0x3  }
0x94: {  	_ =	strace s3  }
0x95: {  	s3 =	sld [smem:$0x3FFD];
	_ =	sdelay $0x3  }
0x96: {  	_ =	strace s3  }
0x97: {  	_ =	strace $0x8FFFFFFF  }
0x98: {  	s19 =	sld [smem:$0x3FDB];
	_ =	sdelay $0x1  }
0x99: {  	s4 =	simm.s32 $_scs_section_size  }
0x9a: {  	s5 =	simm.s32 $_size__tile_overlayer_lowered;
	s6 =	simm.s32 $_tile_overlayer_lowered  }
0x9b: {  	s22 =	simm.s32 $0x1BFF;
	s21 =	sshll.u32 s6, $0x1;
	s3 =	sadd.s32 s4, s19  }
0x9c: {  	s7 =	simm.s32 $0x0;
	s20 =	sshll.u32 s5, $0x1;
	s5 =	sadd.s32 s21, s3  }
0x9d: {  	[timem:s7], [sflag:s22] =	dma.local [hbm:s5], s20  }
0x9e: {  	_ =	swait.ge [sflag:s22], s20  }
0x9f: {  	s4 =	ssub.s32 $0x0, s20;
	[sflag:s22] =	ssyncset.done $0x0  }
0xa0: {  	[sflag:s22] =	ssyncadd.s32 s4;
	_ =	sdelay $0x1  }
0xa1: {  	s23 =	simm.s32 $0x1B8B  }
0xa2: {  	_ =	swait.ge [sflag:s23], $0x1  }
0xa3: {  	[sflag:s23] =	ssyncset.done $0x0  }
0xa4: {  	s25 =	simm.s32 $0x1B8E;
	s24 =	sld [smem:$0x3FFE];
	[sflag:s23] =	ssyncadd.s32 $0xFFFFFFFF  }
0xa5: {  	s26 =	simm.s32 $execute0_lowered;
	[smem:$0x3FD2] =	sst s25  }
0xa6: {  	s5 =	sshll.u32 s26, $0x1;
	_ =	strace $0x80000046;
	[dreg:$0x1] =	wrdreg $0xFFFFFFFF  }
0xa7: {  	s28 =	simm.s32 $_size_execute0_lowered;
	s3 =	sadd.s32 s3, s5;
	[dreg:$0x0] =	wrdreg $0x0  }
0xa8: {  	s5 =	sshll.u32 s28, $0x1;
	[dreg:$0x2] =	wrdreg s3  }
0xa9: {  	[dreg:$0x3] =	wrdreg s5  }
0xaa: {  	[dreg:$0x4] =	wrdreg $0xC0  }
0xab: {  	_ =	task [dreg:s7], $0x5FFFF  }
0xac: {  	[dreg:$0x1] =	wrdreg $0xFFFFFFFF  }
0xad: {  	[dreg:$0x0] =	wrdreg $0x60  }
0xae: {  	[dreg:$0x2] =	wrdreg s2  }
0xaf: {  	[dreg:$0x3] =	wrdreg s24  }
0xb0: {  	[dreg:$0x4] =	wrdreg $0x9  }
0xb1: {  	_ =	task.clear_ibuf [dreg:s7], $0x5FFFF;
	_ =	strace $0x90000046  }
0xb2: {  	s29 =	simm.s32 $0x9;
	_ =	strace $0x80000048  }
0xb3: {  	_ =	swait.ge [sflag:s29], $0x1  }
0xb4: {  	[sflag:s29] =	ssyncadd.s32 $0xFFFFFFFF  }
0xb5: {  	_ =	strace $0x90000048  }
0xb6: {  	_ =	sfence  }
0xb7: {  	s30 =	sld [smem:$0x0];
	_ =	sdelay $0x2  }
0xb8: {  	s31 =	sshll.u32 s1, $0xD;
	s1 =	sshrl.u32 s1, $0x2  }
0xb9: {  	s3 =	sand.u32 $0x4000, s31;
	s1 =	sadd.s32 s1, s30  }
0xba: {  	s0 =	sor.u32 s3, s0;
	s1 =	sshll.u32 s1, $0x11  }
0xbb: {  	s0 =	sor.u32 s1, s0  }
0xbc: {  	s0 =	sadd.s32 $0x8F2B, s0  }
0xbd: {  	[sflag:s0] =	ssyncadd.remote.s32 $0x1  }
0xbe: {  	_ =	sfence.sel $0xFFFF  }
0xbf: {  	[dreg:$0x0] =	wrdreg $0xFFFFFFFF;
	(pc) =	sbr.abs _section_cstart, $3  }
0xc0: {  	[dreg:$0x1] =	wrdreg $0xFFFFFFFF  }
0xc1: {  	_ =	task.clear_ibuf [dreg:s7], $0x2FFFF;
	_ =	strace $0x9FFFFFFF  }
0xc2: {  	(tm) =	ssettm $0x7FFFFFFF  }
0xc3: {  	_ =	shalt  }
tec
execute0_lowered:
.L_overlay_start_1:
0x0: {  	(tag) =	ssettag $0x1  }
0x1: {  	s0 =	rddreg [dreg:$0x0]  }
0x2: {  	s1 =	rddreg [dreg:$0x1];
	s3 =	srdreg.scid;
	s2 =	simm.s32 $0x0  }
0x3: {  	s6 =	stileid.u32;
	s10 =	simm.s32 $0x9;
	s12 =	simm.s32 $0x80  }
0x4: {  	s13 =	simm.s32 $0x7D00;
	s14 =	simm.s32 $0x8D00;
	s15 =	simm.s32 $0x9D00  }
0x5: {  	s16 =	simm.s32 $0x1;
	s17 =	simm.s32 $0xBD00;
	s18 =	simm.s32 $0xAD00  }
0x6: {  	s19 =	simm.s32 $0x2;
	s20 =	simm.s32 $0xCD00;
	s21 =	simm.s32 $0x3  }
0x7: {  	s22 =	simm.s32 $0x7;
	s23 =	simm.s32 $0xDD00;
	s24 =	simm.s32 $0x4  }
0x8: {  	s28 =	simm.s32 $0x5;
	s29 =	simm.s32 $0x6;
	s30 =	simm.s32 $0x0  }
0x9: {  	s5 =	sand.u32 $0x1, s3;
	[smem:$0x7FF] =	sst s2;
	s3 =	sadd.s32 $0xF42C00, s1  }
0xa: {  	s25 =	sadd.s32 $0x800, s1;
	s4 =	sshll.u32 s5, $0x4;
	s5 =	ssub.s32 $0x2, s5  }
0xb: {  	_ =	strace $0x80000047;
	s4 =	sor.u32 s6, s4;
	s26 =	sshrl.u32 s5, $0x1  }
0xc: {  	s6 =	sadd.s32 $0xC00, s1;
	s7 =	smul.u32 $0xC80, s4;
	s1 =	ssub.s32 s5, s26  }
0xd: {  	[dreg:$0x3] =	wrdreg s25;
	s25 =	simm.s32 $0x8;
	s31 =	smax.u32 s1, $0x1  }
0xe: {  	s8 =	sshll.u32 s4, $0x9;
	s0 =	sadd.s32 s0, s7;
	[dreg:$0x5] =	wrdreg s31  }
0xf: {  	s26 =	simm.s32 $0xED00;
	s8 =	sadd.s32 s6, s8;
	[dreg:$0x4] =	wrdreg s0  }
.LBB2_1:
0x10: {  	s0 =	rddreg [dreg:$0x4]  }
0x11: {  	[tilespmem:s2], [sflag:$0x9] =	stream.linear.gather [hbm4b:s0+s2], $0x6400, $0x38;
	[tilespmem:$0xFD00] =	vst v63  }
0x12: {  	_ =	swait.ge [sflag:s10], $0x6400  }
0x13: {  	[sflag:s10] =	ssyncset.done $0x0  }
0x14: {  	s1 =	simm.s32 $0x6400;
	s11 =	rddreg [dreg:$0x3];
	[sflag:s10] =	ssyncadd.s32 $0xFFFF9C00  }
0x15: {  	[tilespmem:s1], [sflag:$0x9] =	stream.linear.gather [hbm4b:s11+s2], $0x1900, $0x38;
	[tilespmem:$0xFD00] =	vst v63  }
0x16: {  	_ =	swait.ge [sflag:s10], $0x1900  }
0x17: {  	[sflag:s10] =	ssyncset.done $0x0  }
0x18: {  	[sflag:s10] =	ssyncadd.s32 $0xFFFFE700  }
0x19: {  	[tilespmem:s13], [sflag:$0x1] =	stream.indirect.gather [hbm4b:s3+s12], $0x20, s2, s12, $0xb8;
	[tilespmem:$0xFD00] =	vst v63  }
0x1a: {  	s31 =	simm.s32 $0x0  }
0x1b: {  	[tilespmem:s14], [sflag:$0x2] =	stream.indirect.gather [hbm4b:s3+s12], $0x20, s12, s12, $0xb8;
	[tilespmem:$0xFD00] =	vst v63  }
.LBB2_2:
0x1c: {  	s0 =	sshll.u32 s31, $0x2  }
0x1d: {  	s1 =	sor.u32 $0x2, s0  }
0x1e: {  	s5 =	sshll.u32 s1, $0x7  }
0x1f: {  	s5 =	sand.u32 $0x3FFFFF00, s5  }
0x20: {  	[tilespmem:s15], [sflag:$0x3] =	stream.indirect.gather [hbm4b:s3+s12], $0x20, s5, s12, $0xb8;
	[tilespmem:$0xFD00] =	vst v63  }
0x21: {  	_ =	swait.ge [sflag:s16], $0x1000  }
0x22: {  	p0 =	seq.s32 s31, $0x0;
	[sflag:s16] =	ssyncset.done $0x0  }
0x23: {  	s5 =	simm.s32 @!p0 $0x5;
	[sflag:s16] =	ssyncadd.s32 $0xFFFFF000  }
0x24: {  	_ =	swait.ge @!p0 [sflag:s5], $0x1000  }
0x25: {  	[sflag:s5] =	ssyncset.done @!p0 $0x0  }
0x26: {  	s11 =	sshll.u32 s31, $0x7;
	[sflag:s5] =	ssyncadd.s32 @!p0 $0xFFFFF000  }
0x27: {  	v1 =	vld [tilespmem:s11+$0x6400]  }
0x28: {  	s9 =	simm.s32 $0x7D80;
	v0 =	vld [tilespmem:s11+$0x6410]  }
0x29: {  	v2 =	vld [tilespmem:s9+$0x60]  }
0x2a: {  	v3 =	vld [tilespmem:s9+$0xFFFFFFA0]  }
0x2b: {  	v4 =	vld [tilespmem:s9+$0xFFFFFFC0]  }
0x2c: {  	v5 =	vld [tilespmem:s9+$0xFFFFFFE0]  }
0x2d: {  	v6 =	vld [tilespmem:s9+$0x0]  }
0x2e: {  	v7 =	vld [tilespmem:s9+$0x20];
	v2 =	vadd.f32 v2, v1  }
0x2f: {  	s5 =	simm.s32 $0xBD80;
	v8 =	vld [tilespmem:s9+$0x40];
	v3 =	vadd.f32 v3, v1  }
0x30: {  	v9 =	vld [tilespmem:s9+$0xFFFFFF80];
	v4 =	vadd.f32 v4, v1;
	[tilespmem:s5+$0x60] =	vst v2  }
0x31: {  	[tilespmem:s5+$0xFFFFFFA0] =	vst v3;
	v2 =	vadd.f32 v5, v1;
	v5 =	vld [tilespmem:s9+$0x70]  }
0x32: {  	[tilespmem:s5+$0xFFFFFFC0] =	vst v4;
	v3 =	vadd.f32 v6, v1;
	v10 =	vld [tilespmem:s9+$0xFFFFFFB0]  }
0x33: {  	v6 =	vadd.f32 v7, v1;
	v11 =	vld [tilespmem:s9+$0xFFFFFFD0];
	[tilespmem:s5+$0xFFFFFFE0] =	vst v2  }
0x34: {  	v7 =	vadd.f32 v8, v1;
	[tilespmem:s5+$0x0] =	vst v3;
	v2 =	vld [tilespmem:s9+$0xFFFFFFF0]  }
0x35: {  	v8 =	vadd.f32 v9, v1;
	[tilespmem:s5+$0x20] =	vst v6;
	v4 =	vld [tilespmem:s9+$0x10]  }
0x36: {  	[tilespmem:s5+$0x40] =	vst v7;
	v3 =	vld [tilespmem:s9+$0x30];
	v9 =	vadd.f32 v5, v0  }
0x37: {  	[tilespmem:s5+$0xFFFFFF80] =	vst v8;
	v5 =	vld [tilespmem:s9+$0x50];
	v8 =	vadd.f32 v10, v0  }
0x38: {  	s7 =	simm.s32 $0x0;
	v6 =	vld [tilespmem:s9+$0xFFFFFF90];
	v7 =	vadd.f32 v11, v0;
	s9 =	simm.s32 $0x7E80;
	[tilespmem:s5+$0x70] =	vst v9  }
.LBB2_3:
0x39: {  	v9 =	vld [tilespmem:s9+$0x60];
	s7 =	sadd.s32 $0x8, s7;
	[tilespmem:s5+$0xFFFFFFB0] =	vst v8;
	v2 =	vadd.f32 v2, v0  }
0x3a: {  	v8 =	vld [tilespmem:s9+$0xFFFFFFA0];
	p1 =	slt.u32 s7, $0x78;
	[tilespmem:s5+$0xFFFFFFD0] =	vst v7;
	v4 =	vadd.f32 v4, v0  }
0x3b: {  	v7 =	vld [tilespmem:s9+$0xFFFFFFC0];
	[tilespmem:s5+$0xFFFFFFF0] =	vst v2;
	v2 =	vadd.f32 v3, v0  }
0x3c: {  	v3 =	vld [tilespmem:s9+$0xFFFFFFE0];
	[tilespmem:s5+$0x10] =	vst v4;
	v4 =	vadd.f32 v5, v0  }
0x3d: {  	v5 =	vld [tilespmem:s9+$0x0];
	v6 =	vadd.f32 v6, v0;
	[tilespmem:s5+$0x30] =	vst v2  }
0x3e: {  	v2 =	vld [tilespmem:s9+$0x20];
	v9 =	vadd.f32 v9, v1;
	[tilespmem:s5+$0x50] =	vst v4  }
0x3f: {  	v4 =	vadd.f32 v8, v1;
	v8 =	vld [tilespmem:s9+$0x40];
	[tilespmem:s5+$0xFFFFFF90] =	vst v6;
	s5 =	sadd.s32 $0x100, s5  }
0x40: {  	v6 =	vld [tilespmem:s9+$0xFFFFFF80];
	v7 =	vadd.f32 v7, v1;
	[tilespmem:s5+$0x60] =	vst v9  }
0x41: {  	[tilespmem:s5+$0xFFFFFFA0] =	vst v4;
	v3 =	vadd.f32 v3, v1;
	v9 =	vld [tilespmem:s9+$0x70]  }
0x42: {  	v10 =	vld [tilespmem:s9+$0xFFFFFFB0];
	[tilespmem:s5+$0xFFFFFFC0] =	vst v7;
	v4 =	vadd.f32 v5, v1  }
0x43: {  	v7 =	vld [tilespmem:s9+$0xFFFFFFD0];
	[tilespmem:s5+$0xFFFFFFE0] =	vst v3;
	v3 =	vadd.f32 v2, v1  }
.Ltmp0:
0x44: {  	v2 =	vld [tilespmem:s9+$0xFFFFFFF0];
	[tilespmem:s5+$0x0] =	vst v4;
	v5 =	vadd.f32 v8, v1;
	(pc) =	sbr.rel @p1 .LBB2_3-.Ltmp0, $4  }
0x45: {  	v6 =	vadd.f32 v6, v1;
	v4 =	vld [tilespmem:s9+$0x10];
	[tilespmem:s5+$0x20] =	vst v3  }
0x46: {  	v3 =	vld [tilespmem:s9+$0x30];
	[tilespmem:s5+$0x40] =	vst v5;
	v9 =	vadd.f32 v9, v0  }
0x47: {  	[tilespmem:s5+$0xFFFFFF80] =	vst v6;
	v8 =	vadd.f32 v10, v0;
	v5 =	vld [tilespmem:s9+$0x50]  }
0x48: {  	v6 =	vld [tilespmem:s9+$0xFFFFFF90];
	v7 =	vadd.f32 v7, v0;
	[tilespmem:s5+$0x70] =	vst v9;
	s9 =	sadd.s32 $0x100, s9  }
0x49: {  	[tilespmem:s5+$0xFFFFFFB0] =	vst v8;
	v1 =	vadd.f32 v2, v0  }
0x4a: {  	[tilespmem:s5+$0xFFFFFFD0] =	vst v7;
	v2 =	vadd.f32 v4, v0  }
0x4b: {  	[tilespmem:s5+$0xFFFFFFF0] =	vst v1;
	v1 =	vadd.f32 v3, v0  }
0x4c: {  	[tilespmem:s5+$0x10] =	vst v2;
	v2 =	vadd.f32 v5, v0  }
0x4d: {  	v0 =	vadd.f32 v6, v0;
	[tilespmem:s5+$0x30] =	vst v1  }
0x4e: {  	s7 =	sshll.u32 s31, $0x10;
	s0 =	sor.u32 $0x3, s0;
	[tilespmem:s5+$0x50] =	vst v2  }
0x4f: {  	s7 =	sadd.s32 s7, s8;
	s9 =	sshll.u32 s0, $0x7;
	[tilespmem:s5+$0xFFFFFF90] =	vst v0  }
0x50: {  	[hbm4b:s7+s2] =	stream.linear.scatter [tilespmem:s17], [sflag:$0x5], $0x1000, $0x38;
	[tilespmem:$0xFD00] =	vst v63  }
0x51: {  	s5 =	sand.u32 $0x3FFFFF80, s9  }
0x52: {  	[tilespmem:s18], [sflag:$0x4] =	stream.indirect.gather [hbm4b:s3+s12], $0x20, s5, s12, $0xb8;
	[tilespmem:$0xFD00] =	vst v63  }
0x53: {  	_ =	swait.ge [sflag:s19], $0x1000  }
0x54: {  	[sflag:s19] =	ssyncset.done $0x0  }
0x55: {  	s5 =	simm.s32 @!p0 $0x6;
	[sflag:s19] =	ssyncadd.s32 $0xFFFFF000  }
0x56: {  	_ =	swait.ge @!p0 [sflag:s5], $0x1000  }
0x57: {  	[sflag:s5] =	ssyncset.done @!p0 $0x0  }
0x58: {  	[sflag:s5] =	ssyncadd.s32 @!p0 $0xFFFFF000  }
0x59: {  	v1 =	vld [tilespmem:s11+$0x6420]  }
0x5a: {  	s9 =	simm.s32 $0x8D80;
	v0 =	vld [tilespmem:s11+$0x6430]  }
0x5b: {  	v2 =	vld [tilespmem:s9+$0x60]  }
0x5c: {  	v3 =	vld [tilespmem:s9+$0xFFFFFFA0]  }
0x5d: {  	v4 =	vld [tilespmem:s9+$0xFFFFFFC0]  }
0x5e: {  	v5 =	vld [tilespmem:s9+$0xFFFFFFE0]  }
0x5f: {  	v6 =	vld [tilespmem:s9+$0x0]  }
0x60: {  	v7 =	vld [tilespmem:s9+$0x20];
	v2 =	vadd.f32 v2, v1  }
0x61: {  	s5 =	simm.s32 $0xCD80;
	v8 =	vld [tilespmem:s9+$0x40];
	v3 =	vadd.f32 v3, v1  }
0x62: {  	v9 =	vld [tilespmem:s9+$0xFFFFFF80];
	v4 =	vadd.f32 v4, v1;
	[tilespmem:s5+$0x60] =	vst v2  }
0x63: {  	[tilespmem:s5+$0xFFFFFFA0] =	vst v3;
	v2 =	vadd.f32 v5, v1;
	v5 =	vld [tilespmem:s9+$0x70]  }
0x64: {  	[tilespmem:s5+$0xFFFFFFC0] =	vst v4;
	v3 =	vadd.f32 v6, v1;
	v10 =	vld [tilespmem:s9+$0xFFFFFFB0]  }
0x65: {  	v6 =	vadd.f32 v7, v1;
	v11 =	vld [tilespmem:s9+$0xFFFFFFD0];
	[tilespmem:s5+$0xFFFFFFE0] =	vst v2  }
0x66: {  	v7 =	vadd.f32 v8, v1;
	[tilespmem:s5+$0x0] =	vst v3;
	v2 =	vld [tilespmem:s9+$0xFFFFFFF0]  }
0x67: {  	v8 =	vadd.f32 v9, v1;
	[tilespmem:s5+$0x20] =	vst v6;
	v4 =	vld [tilespmem:s9+$0x10]  }
0x68: {  	[tilespmem:s5+$0x40] =	vst v7;
	v3 =	vld [tilespmem:s9+$0x30];
	v9 =	vadd.f32 v5, v0  }
0x69: {  	[tilespmem:s5+$0xFFFFFF80] =	vst v8;
	v5 =	vld [tilespmem:s9+$0x50];
	v8 =	vadd.f32 v10, v0  }
0x6a: {  	s7 =	simm.s32 $0x0;
	s11 =	sor.u32 $0x20, s11;
	v6 =	vld [tilespmem:s9+$0xFFFFFF90];
	v7 =	vadd.f32 v11, v0;
	s9 =	simm.s32 $0x8E80;
	[tilespmem:s5+$0x70] =	vst v9  }
.LBB2_5:
0x6b: {  	v9 =	vld [tilespmem:s9+$0x60];
	s7 =	sadd.s32 $0x8, s7;
	[tilespmem:s5+$0xFFFFFFB0] =	vst v8;
	v2 =	vadd.f32 v2, v0  }
0x6c: {  	v8 =	vld [tilespmem:s9+$0xFFFFFFA0];
	p1 =	slt.u32 s7, $0x78;
	[tilespmem:s5+$0xFFFFFFD0] =	vst v7;
	v4 =	vadd.f32 v4, v0  }
0x6d: {  	v7 =	vld [tilespmem:s9+$0xFFFFFFC0];
	[tilespmem:s5+$0xFFFFFFF0] =	vst v2;
	v2 =	vadd.f32 v3, v0  }
0x6e: {  	v3 =	vld [tilespmem:s9+$0xFFFFFFE0];
	[tilespmem:s5+$0x10] =	vst v4;
	v4 =	vadd.f32 v5, v0  }
0x6f: {  	v5 =	vld [tilespmem:s9+$0x0];
	v6 =	vadd.f32 v6, v0;
	[tilespmem:s5+$0x30] =	vst v2  }
0x70: {  	v2 =	vld [tilespmem:s9+$0x20];
	v9 =	vadd.f32 v9, v1;
	[tilespmem:s5+$0x50] =	vst v4  }
0x71: {  	v4 =	vadd.f32 v8, v1;
	v8 =	vld [tilespmem:s9+$0x40];
	[tilespmem:s5+$0xFFFFFF90] =	vst v6;
	s5 =	sadd.s32 $0x100, s5  }
0x72: {  	v6 =	vld [tilespmem:s9+$0xFFFFFF80];
	v7 =	vadd.f32 v7, v1;
	[tilespmem:s5+$0x60] =	vst v9  }
0x73: {  	[tilespmem:s5+$0xFFFFFFA0] =	vst v4;
	v3 =	vadd.f32 v3, v1;
	v9 =	vld [tilespmem:s9+$0x70]  }
0x74: {  	v10 =	vld [tilespmem:s9+$0xFFFFFFB0];
	[tilespmem:s5+$0xFFFFFFC0] =	vst v7;
	v4 =	vadd.f32 v5, v1  }
0x75: {  	v7 =	vld [tilespmem:s9+$0xFFFFFFD0];
	[tilespmem:s5+$0xFFFFFFE0] =	vst v3;
	v3 =	vadd.f32 v2, v1  }
.Ltmp1:
0x76: {  	v2 =	vld [tilespmem:s9+$0xFFFFFFF0];
	[tilespmem:s5+$0x0] =	vst v4;
	v5 =	vadd.f32 v8, v1;
	(pc) =	sbr.rel @p1 .LBB2_5-.Ltmp1, $4  }
0x77: {  	v6 =	vadd.f32 v6, v1;
	v4 =	vld [tilespmem:s9+$0x10];
	[tilespmem:s5+$0x20] =	vst v3  }
0x78: {  	v3 =	vld [tilespmem:s9+$0x30];
	[tilespmem:s5+$0x40] =	vst v5;
	v9 =	vadd.f32 v9, v0  }
0x79: {  	[tilespmem:s5+$0xFFFFFF80] =	vst v6;
	v8 =	vadd.f32 v10, v0;
	v5 =	vld [tilespmem:s9+$0x50]  }
0x7a: {  	v6 =	vld [tilespmem:s9+$0xFFFFFF90];
	v7 =	vadd.f32 v7, v0;
	[tilespmem:s5+$0x70] =	vst v9;
	s9 =	sadd.s32 $0x100, s9  }
0x7b: {  	[tilespmem:s5+$0xFFFFFFB0] =	vst v8;
	v1 =	vadd.f32 v2, v0  }
0x7c: {  	[tilespmem:s5+$0xFFFFFFD0] =	vst v7;
	v60 =	vadd.f32 v4, v0  }
0x7d: {  	p1 =	sne.s32 s31, $0x31;
	[tilespmem:s5+$0xFFFFFFF0] =	vst v1;
	v61 =	vadd.f32 v3, v0  }
.Ltmp2:
0x7e: {  	[tilespmem:s5+$0x10] =	vst v60;
	v62 =	vadd.f32 v5, v0;
	(pc) =	sbr.rel @p1 .LBB2_8-.Ltmp2, $4  }
0x7f: {  	s7 =	sor.u32 s4, s11;
	v63 =	vadd.f32 v6, v0;
	[tilespmem:s5+$0x30] =	vst v61  }
0x80: {  	s7 =	sshll.u32 s7, $0x9;
	[tilespmem:s5+$0x50] =	vst v62  }
0x81: {  	s11 =	sadd.s32 s6, s7;
	[tilespmem:s5+$0xFFFFFF90] =	vst v63  }
0x82: {  	[hbm4b:s11+s2] =	stream.linear.scatter [tilespmem:s20], [sflag:$0x6], $0x1000, $0x38;
	[tilespmem:$0xFD00] =	vst v63  }
.Ltmp3:
0x83: {  	(pc) =	sbr.rel .LBB2_9-.Ltmp3, $4  }
0x84: {  	_ = 	snop  }
0x85: {  	_ =	swait.ge [sflag:s21], $0x1000  }
0x86: {  	[sflag:s21] =	ssyncset.done $0x0  }
0x87: {  	[sflag:s21] =	ssyncadd.s32 $0xFFFFF000  }
.LBB2_8:
0x88: {  	s5 =	sshll.u32 s31, $0x9  }
0x89: {  	s5 =	sand.u32 $0x3FFFFE00, s5  }
.Ltmp4:
0x8a: {  	s5 =	sadd.s32 $0x200, s5;
	(pc) =	sbr.rel @p0 .LBB2_10-.Ltmp4, $4  }
0x8b: {  	[tilespmem:s13], [sflag:$0x1] =	stream.indirect.gather [hbm4b:s3+s12], $0x20, s5, s12, $0xb8;
	[tilespmem:$0xFD00] =	vst v63  }
0x8c: {  	_ =	swait.ge [sflag:s21], $0x1000  }
0x8d: {  	[sflag:s21] =	ssyncset.done $0x0  }
0x8e: {  	[sflag:s21] =	ssyncadd.s32 $0xFFFFF000  }
.LBB2_9:
0x8f: {  	_ =	swait.ge [sflag:s22], $0x1000  }
0x90: {  	[sflag:s22] =	ssyncset.done $0x0  }
0x91: {  	[sflag:s22] =	ssyncadd.s32 $0xFFFFF000  }
.LBB2_10:
0x92: {  	s1 =	sshll.u32 s1, $0x5  }
0x93: {  	v1 =	vld [tilespmem:s1+$0x6400]  }
0x94: {  	s9 =	simm.s32 $0x9D80;
	v0 =	vld [tilespmem:s1+$0x6410]  }
0x95: {  	v2 =	vld [tilespmem:s9+$0x60]  }
0x96: {  	v3 =	vld [tilespmem:s9+$0xFFFFFFA0]  }
0x97: {  	v4 =	vld [tilespmem:s9+$0xFFFFFFC0]  }
0x98: {  	v5 =	vld [tilespmem:s9+$0xFFFFFFE0]  }
0x99: {  	v6 =	vld [tilespmem:s9+$0x0]  }
0x9a: {  	v7 =	vld [tilespmem:s9+$0x20];
	v2 =	vadd.f32 v2, v1  }
0x9b: {  	s5 =	simm.s32 $0xDD80;
	v8 =	vld [tilespmem:s9+$0x40];
	v3 =	vadd.f32 v3, v1  }
0x9c: {  	v9 =	vld [tilespmem:s9+$0xFFFFFF80];
	v4 =	vadd.f32 v4, v1;
	[tilespmem:s5+$0x60] =	vst v2  }
0x9d: {  	[tilespmem:s5+$0xFFFFFFA0] =	vst v3;
	v2 =	vadd.f32 v5, v1;
	v5 =	vld [tilespmem:s9+$0x70]  }
0x9e: {  	[tilespmem:s5+$0xFFFFFFC0] =	vst v4;
	v3 =	vadd.f32 v6, v1;
	v10 =	vld [tilespmem:s9+$0xFFFFFFB0]  }
0x9f: {  	v6 =	vadd.f32 v7, v1;
	v11 =	vld [tilespmem:s9+$0xFFFFFFD0];
	[tilespmem:s5+$0xFFFFFFE0] =	vst v2  }
0xa0: {  	v7 =	vadd.f32 v8, v1;
	[tilespmem:s5+$0x0] =	vst v3;
	v2 =	vld [tilespmem:s9+$0xFFFFFFF0]  }
0xa1: {  	v8 =	vadd.f32 v9, v1;
	[tilespmem:s5+$0x20] =	vst v6;
	v4 =	vld [tilespmem:s9+$0x10]  }
0xa2: {  	[tilespmem:s5+$0x40] =	vst v7;
	v3 =	vld [tilespmem:s9+$0x30];
	v9 =	vadd.f32 v5, v0  }
0xa3: {  	[tilespmem:s5+$0xFFFFFF80] =	vst v8;
	v5 =	vld [tilespmem:s9+$0x50];
	v8 =	vadd.f32 v10, v0  }
0xa4: {  	s7 =	simm.s32 $0x0;
	v6 =	vld [tilespmem:s9+$0xFFFFFF90];
	v7 =	vadd.f32 v11, v0;
	s9 =	simm.s32 $0x9E80;
	[tilespmem:s5+$0x70] =	vst v9  }
.LBB2_11:
0xa5: {  	v9 =	vld [tilespmem:s9+$0x60];
	s7 =	sadd.s32 $0x8, s7;
	[tilespmem:s5+$0xFFFFFFB0] =	vst v8;
	v2 =	vadd.f32 v2, v0  }
0xa6: {  	v8 =	vld [tilespmem:s9+$0xFFFFFFA0];
	p2 =	slt.u32 s7, $0x78;
	[tilespmem:s5+$0xFFFFFFD0] =	vst v7;
	v4 =	vadd.f32 v4, v0  }
0xa7: {  	v7 =	vld [tilespmem:s9+$0xFFFFFFC0];
	[tilespmem:s5+$0xFFFFFFF0] =	vst v2;
	v2 =	vadd.f32 v3, v0  }
0xa8: {  	v3 =	vld [tilespmem:s9+$0xFFFFFFE0];
	[tilespmem:s5+$0x10] =	vst v4;
	v4 =	vadd.f32 v5, v0  }
0xa9: {  	v5 =	vld [tilespmem:s9+$0x0];
	v6 =	vadd.f32 v6, v0;
	[tilespmem:s5+$0x30] =	vst v2  }
0xaa: {  	v2 =	vld [tilespmem:s9+$0x20];
	v9 =	vadd.f32 v9, v1;
	[tilespmem:s5+$0x50] =	vst v4  }
0xab: {  	v4 =	vadd.f32 v8, v1;
	v8 =	vld [tilespmem:s9+$0x40];
	[tilespmem:s5+$0xFFFFFF90] =	vst v6;
	s5 =	sadd.s32 $0x100, s5  }
0xac: {  	v6 =	vld [tilespmem:s9+$0xFFFFFF80];
	v7 =	vadd.f32 v7, v1;
	[tilespmem:s5+$0x60] =	vst v9  }
0xad: {  	[tilespmem:s5+$0xFFFFFFA0] =	vst v4;
	v3 =	vadd.f32 v3, v1;
	v9 =	vld [tilespmem:s9+$0x70]  }
0xae: {  	v10 =	vld [tilespmem:s9+$0xFFFFFFB0];
	[tilespmem:s5+$0xFFFFFFC0] =	vst v7;
	v4 =	vadd.f32 v5, v1  }
0xaf: {  	v7 =	vld [tilespmem:s9+$0xFFFFFFD0];
	[tilespmem:s5+$0xFFFFFFE0] =	vst v3;
	v3 =	vadd.f32 v2, v1  }
.Ltmp5:
0xb0: {  	v2 =	vld [tilespmem:s9+$0xFFFFFFF0];
	[tilespmem:s5+$0x0] =	vst v4;
	v5 =	vadd.f32 v8, v1;
	(pc) =	sbr.rel @p2 .LBB2_11-.Ltmp5, $4  }
0xb1: {  	v6 =	vadd.f32 v6, v1;
	v4 =	vld [tilespmem:s9+$0x10];
	[tilespmem:s5+$0x20] =	vst v3  }
0xb2: {  	v3 =	vld [tilespmem:s9+$0x30];
	[tilespmem:s5+$0x40] =	vst v5;
	v9 =	vadd.f32 v9, v0  }
0xb3: {  	[tilespmem:s5+$0xFFFFFF80] =	vst v6;
	v8 =	vadd.f32 v10, v0;
	v5 =	vld [tilespmem:s9+$0x50]  }
0xb4: {  	v6 =	vld [tilespmem:s9+$0xFFFFFF90];
	v7 =	vadd.f32 v7, v0;
	[tilespmem:s5+$0x70] =	vst v9;
	s9 =	sadd.s32 $0x100, s9  }
0xb5: {  	[tilespmem:s5+$0xFFFFFFB0] =	vst v8;
	v1 =	vadd.f32 v2, v0  }
0xb6: {  	[tilespmem:s5+$0xFFFFFFD0] =	vst v7;
	v60 =	vadd.f32 v4, v0  }
0xb7: {  	[tilespmem:s5+$0xFFFFFFF0] =	vst v1;
	v61 =	vadd.f32 v3, v0  }
.Ltmp6:
0xb8: {  	s1 =	sor.u32 s4, s1;
	[tilespmem:s5+$0x10] =	vst v60;
	v62 =	vadd.f32 v5, v0;
	(pc) =	sbr.rel @p1 .LBB2_14-.Ltmp6, $4  }
0xb9: {  	s1 =	sshll.u32 s1, $0x9;
	v63 =	vadd.f32 v6, v0;
	[tilespmem:s5+$0x30] =	vst v61  }
0xba: {  	s1 =	sand.u32 $0x1FFFBE00, s1;
	[tilespmem:s5+$0x50] =	vst v62  }
0xbb: {  	s1 =	sadd.s32 s6, s1;
	[tilespmem:s5+$0xFFFFFF90] =	vst v63  }
0xbc: {  	[hbm4b:s1+s2] =	stream.linear.scatter [tilespmem:s23], [sflag:$0x7], $0x1000, $0x38;
	[tilespmem:$0xFD00] =	vst v63  }
.Ltmp7:
0xbd: {  	(pc) =	sbr.rel .LBB2_15-.Ltmp7, $4  }
0xbe: {  	_ = 	snop  }
0xbf: {  	_ =	swait.ge [sflag:s24], $0x1000  }
0xc0: {  	[sflag:s24] =	ssyncset.done $0x0  }
0xc1: {  	[sflag:s24] =	ssyncadd.s32 $0xFFFFF000  }
.LBB2_14:
0xc2: {  	s1 =	sshll.u32 s31, $0x9  }
0xc3: {  	s1 =	sand.u32 $0x3FFFFE00, s1  }
.Ltmp8:
0xc4: {  	s1 =	sadd.s32 $0x280, s1;
	(pc) =	sbr.rel @p0 .LBB2_16-.Ltmp8, $4  }
0xc5: {  	[tilespmem:s14], [sflag:$0x2] =	stream.indirect.gather [hbm4b:s3+s12], $0x20, s1, s12, $0xb8;
	[tilespmem:$0xFD00] =	vst v63  }
0xc6: {  	_ =	swait.ge [sflag:s24], $0x1000  }
0xc7: {  	[sflag:s24] =	ssyncset.done $0x0  }
0xc8: {  	[sflag:s24] =	ssyncadd.s32 $0xFFFFF000  }
.LBB2_15:
0xc9: {  	_ =	swait.ge [sflag:s25], $0x1000  }
0xca: {  	[sflag:s25] =	ssyncset.done $0x0  }
0xcb: {  	[sflag:s25] =	ssyncadd.s32 $0xFFFFF000  }
.LBB2_16:
0xcc: {  	s0 =	sshll.u32 s0, $0x5  }
0xcd: {  	v1 =	vld [tilespmem:s0+$0x6400]  }
0xce: {  	s7 =	simm.s32 $0xAD80;
	v0 =	vld [tilespmem:s0+$0x6410]  }
0xcf: {  	v2 =	vld [tilespmem:s7+$0x60]  }
0xd0: {  	v3 =	vld [tilespmem:s7+$0xFFFFFFA0]  }
0xd1: {  	v4 =	vld [tilespmem:s7+$0xFFFFFFC0]  }
0xd2: {  	v5 =	vld [tilespmem:s7+$0xFFFFFFE0]  }
0xd3: {  	v6 =	vld [tilespmem:s7+$0x0]  }
0xd4: {  	v7 =	vld [tilespmem:s7+$0x20];
	v2 =	vadd.f32 v2, v1  }
0xd5: {  	s1 =	simm.s32 $0xED80;
	v8 =	vld [tilespmem:s7+$0x40];
	v3 =	vadd.f32 v3, v1  }
0xd6: {  	v9 =	vld [tilespmem:s7+$0xFFFFFF80];
	v4 =	vadd.f32 v4, v1;
	[tilespmem:s1+$0x60] =	vst v2  }
0xd7: {  	[tilespmem:s1+$0xFFFFFFA0] =	vst v3;
	v2 =	vadd.f32 v5, v1;
	v5 =	vld [tilespmem:s7+$0x70]  }
0xd8: {  	[tilespmem:s1+$0xFFFFFFC0] =	vst v4;
	v3 =	vadd.f32 v6, v1;
	v10 =	vld [tilespmem:s7+$0xFFFFFFB0]  }
0xd9: {  	v6 =	vadd.f32 v7, v1;
	v11 =	vld [tilespmem:s7+$0xFFFFFFD0];
	[tilespmem:s1+$0xFFFFFFE0] =	vst v2  }
0xda: {  	v7 =	vadd.f32 v8, v1;
	[tilespmem:s1+$0x0] =	vst v3;
	v2 =	vld [tilespmem:s7+$0xFFFFFFF0]  }
0xdb: {  	v8 =	vadd.f32 v9, v1;
	[tilespmem:s1+$0x20] =	vst v6;
	v4 =	vld [tilespmem:s7+$0x10]  }
0xdc: {  	[tilespmem:s1+$0x40] =	vst v7;
	v3 =	vld [tilespmem:s7+$0x30];
	v9 =	vadd.f32 v5, v0  }
0xdd: {  	[tilespmem:s1+$0xFFFFFF80] =	vst v8;
	v5 =	vld [tilespmem:s7+$0x50];
	v8 =	vadd.f32 v10, v0  }
0xde: {  	s5 =	simm.s32 $0x0;
	v6 =	vld [tilespmem:s7+$0xFFFFFF90];
	v7 =	vadd.f32 v11, v0;
	s7 =	simm.s32 $0xAE80;
	[tilespmem:s1+$0x70] =	vst v9  }
.LBB2_17:
0xdf: {  	v9 =	vld [tilespmem:s7+$0x60];
	s5 =	sadd.s32 $0x8, s5;
	[tilespmem:s1+$0xFFFFFFB0] =	vst v8;
	v2 =	vadd.f32 v2, v0  }
0xe0: {  	v8 =	vld [tilespmem:s7+$0xFFFFFFA0];
	p0 =	slt.u32 s5, $0x78;
	[tilespmem:s1+$0xFFFFFFD0] =	vst v7;
	v4 =	vadd.f32 v4, v0  }
0xe1: {  	v7 =	vld [tilespmem:s7+$0xFFFFFFC0];
	[tilespmem:s1+$0xFFFFFFF0] =	vst v2;
	v2 =	vadd.f32 v3, v0  }
0xe2: {  	v3 =	vld [tilespmem:s7+$0xFFFFFFE0];
	[tilespmem:s1+$0x10] =	vst v4;
	v4 =	vadd.f32 v5, v0  }
0xe3: {  	v5 =	vld [tilespmem:s7+$0x0];
	v6 =	vadd.f32 v6, v0;
	[tilespmem:s1+$0x30] =	vst v2  }
0xe4: {  	v2 =	vld [tilespmem:s7+$0x20];
	v9 =	vadd.f32 v9, v1;
	[tilespmem:s1+$0x50] =	vst v4  }
0xe5: {  	v4 =	vadd.f32 v8, v1;
	v8 =	vld [tilespmem:s7+$0x40];
	[tilespmem:s1+$0xFFFFFF90] =	vst v6;
	s1 =	sadd.s32 $0x100, s1  }
0xe6: {  	v6 =	vld [tilespmem:s7+$0xFFFFFF80];
	v7 =	vadd.f32 v7, v1;
	[tilespmem:s1+$0x60] =	vst v9  }
0xe7: {  	[tilespmem:s1+$0xFFFFFFA0] =	vst v4;
	v3 =	vadd.f32 v3, v1;
	v9 =	vld [tilespmem:s7+$0x70]  }
0xe8: {  	v10 =	vld [tilespmem:s7+$0xFFFFFFB0];
	[tilespmem:s1+$0xFFFFFFC0] =	vst v7;
	v4 =	vadd.f32 v5, v1  }
0xe9: {  	v7 =	vld [tilespmem:s7+$0xFFFFFFD0];
	[tilespmem:s1+$0xFFFFFFE0] =	vst v3;
	v3 =	vadd.f32 v2, v1  }
.Ltmp9:
0xea: {  	v2 =	vld [tilespmem:s7+$0xFFFFFFF0];
	[tilespmem:s1+$0x0] =	vst v4;
	v5 =	vadd.f32 v8, v1;
	(pc) =	sbr.rel @p0 .LBB2_17-.Ltmp9, $4  }
0xeb: {  	v6 =	vadd.f32 v6, v1;
	v4 =	vld [tilespmem:s7+$0x10];
	[tilespmem:s1+$0x20] =	vst v3  }
0xec: {  	v3 =	vld [tilespmem:s7+$0x30];
	[tilespmem:s1+$0x40] =	vst v5;
	v9 =	vadd.f32 v9, v0  }
0xed: {  	[tilespmem:s1+$0xFFFFFF80] =	vst v6;
	v8 =	vadd.f32 v10, v0;
	v5 =	vld [tilespmem:s7+$0x50]  }
0xee: {  	v6 =	vld [tilespmem:s7+$0xFFFFFF90];
	v7 =	vadd.f32 v7, v0;
	[tilespmem:s1+$0x70] =	vst v9;
	s7 =	sadd.s32 $0x100, s7  }
0xef: {  	[tilespmem:s1+$0xFFFFFFB0] =	vst v8;
	v1 =	vadd.f32 v2, v0  }
0xf0: {  	s31 =	sadd.s32 $0x1, s31;
	[tilespmem:s1+$0xFFFFFFD0] =	vst v7;
	v60 =	vadd.f32 v4, v0  }
0xf1: {  	p0 =	sne.s32 s31, $0x32;
	[tilespmem:s1+$0xFFFFFFF0] =	vst v1;
	v61 =	vadd.f32 v3, v0  }
.Ltmp10:
0xf2: {  	s0 =	sor.u32 s4, s0;
	[tilespmem:s1+$0x10] =	vst v60;
	v62 =	vadd.f32 v5, v0;
	(pc) =	sbr.rel @p0 .LBB2_2-.Ltmp10, $4  }
0xf3: {  	s0 =	sshll.u32 s0, $0x9;
	v63 =	vadd.f32 v6, v0;
	[tilespmem:s1+$0x30] =	vst v61  }
0xf4: {  	s0 =	sand.u32 $0x1FFFFE00, s0;
	[tilespmem:s1+$0x50] =	vst v62  }
0xf5: {  	s0 =	sadd.s32 s6, s0;
	[tilespmem:s1+$0xFFFFFF90] =	vst v63  }
0xf6: {  	[hbm4b:s0+s2] =	stream.linear.scatter [tilespmem:s26], [sflag:$0x8], $0x1000, $0x38;
	[tilespmem:$0xFD00] =	vst v63  }
0xf7: {  	_ =	swait.ge [sflag:s28], $0x1000  }
0xf8: {  	[sflag:s28] =	ssyncset.done $0x0  }
0xf9: {  	[sflag:s28] =	ssyncadd.s32 $0xFFFFF000  }
0xfa: {  	_ =	swait.ge [sflag:s29], $0x1000  }
0xfb: {  	[sflag:s29] =	ssyncset.done $0x0  }
0xfc: {  	[sflag:s29] =	ssyncadd.s32 $0xFFFFF000  }
0xfd: {  	_ =	swait.ge [sflag:s22], $0x1000  }
0xfe: {  	[sflag:s22] =	ssyncset.done $0x0  }
0xff: {  	[sflag:s22] =	ssyncadd.s32 $0xFFFFF000  }
0x100: {  	_ =	swait.ge [sflag:s25], $0x1000  }
0x101: {  	s30 =	sadd.s32 $0x1, s30;
	s0 =	rddreg [dreg:$0x5]  }
0x102: {  	p0 =	sne.s32 s30, s0  }
.Ltmp11:
0x103: {  	_ = 	snop;
	(pc) =	sbr.rel @p0 .LBB2_1-.Ltmp11, $3  }
0x104: {  	_ =	sdelay $0x1  }
0x105: {  	[sflag:s25] =	ssyncset.done $0x0  }
0x106: {  	[sflag:s25] =	ssyncadd.s32 $0xFFFFF000  }
0x107: {  	_ =	sfence.sel $0x180000  }
0x108: {  	[bflag:$0x0] =	sbarrier.arrive $0xFFFF  }
0x109: {  	_ =	strace $0x90000047  }
0x10a: {  	s0 =	stileid.u32;
	[bflag:$0x2] =	sbarrier.arrive $0xFFFF  }
0x10b: {  	p0 =	sne.s32 s0, $0x0;
	s0 =	rddreg [dreg:$0x2]  }
0x10c: {  	s0 =	sadd.s32 @!p0 $0x100000, s0  }
0x10d: {  	[sflag:s0] =	ssyncadd.tile.s32 @!p0 $0x1;
	_ =	shalt  }
.Lfunc_end2:
_tile_overlayer_lowered:
.L_overlay_start_2:
0x10e: {  	(tag) =	ssettag $0x2  }
0x10f: {  	s0 =	rddreg [dreg:$0x0];
	s2 =	stileid.u32  }
0x110: {  	s1 =	rddreg [dreg:$0x1];
	p0 =	sne.s32 s2, $0x0  }
0x111: {  	s3 =	rddreg [dreg:$0x2];
	[bflag:$0x3] =	sbarrier.arrive $0xFFFF;
	s2 =	simm.s32 @!p0 $0x1C09  }
0x112: {  	[timem:s3], [sflag:s2] =	dma.local @!p0 [hbm:s0], s1  }
0x113: {  	s0 =	simm.s32 @!p0 $0x9  }
0x114: {  	_ =	swait.ge @!p0 [sflag:s0], s1  }
0x115: {  	s1 =	ssub.s32 @!p0 $0x0, s1;
	[sflag:s0] =	ssyncset.done @!p0 $0x0  }
0x116: {  	[sflag:s0] =	ssyncadd.s32 @!p0 s1  }
0x117: {  	[bflag:$0x3] =	sbarrier.arrive $0xFFFF  }
0x118: {  	_ =	shalt  }

</sc_bundles>
